<compile_context>
chip_gen: v7x
topology: tpu7x:2x2x1
jax: 0.10.2.dev20260603
libtpu: 0.0.44.dev20260713+nightly
codegen_flags: <defaults>
</compile_context>

<pallas_src>
import functools

import numpy as np
import jax
import jax.numpy as jnp
from jax import lax
from jax.experimental import pallas as pl
from jax.experimental.pallas import tpu as pltpu
from jax.experimental.pallas import tpu_sc as plsc

B = 4096
L = 200
D = 64
NC = 2
NS = 16
NW = NC * NS
TOTAL = B * L
PER_TILE = TOTAL // NW
NIDX = 320
STAGES = PER_TILE // NIDX
NBUF = 2
LANES = 128


def _gather_body(idx_hbm, table_hbm, out_hbm, idx_all, rows0, rows1,
                 gsem0, gsem1, ssem0, ssem1):
    c = lax.axis_index("c")
    s = lax.axis_index("s")
    wid = s * NC + c
    base = wid * PER_TILE

    rows = (rows0, rows1)
    gsem = (gsem0, gsem1)
    ssem = (ssem0, ssem1)

    pltpu.sync_copy(idx_hbm.at[pl.ds(base, PER_TILE)], idx_all)

    def fire_gather(g, b):
        pltpu.async_copy(table_hbm.at[idx_all.at[pl.ds(g * NIDX, NIDX)]],
                         rows[b], gsem[b])

    def wait_gather(b):
        pltpu.make_async_copy(table_hbm.at[idx_all.at[pl.ds(0, NIDX)]],
                              rows[b], gsem[b]).wait()

    def fire_store(g, b):
        pltpu.async_copy(rows[b].at[:, pl.ds(0, D)],
                         out_hbm.at[pl.ds(base + g * NIDX, NIDX)],
                         ssem[b])

    def wait_store(g, b):
        pltpu.make_async_copy(rows[b].at[:, pl.ds(0, D)],
                              out_hbm.at[pl.ds(base + g * NIDX, NIDX)],
                              ssem[b]).wait()

    fire_gather(0, 0)
    fire_gather(1, 1)
    wait_gather(0)
    fire_store(0, 0)

    def pair(k, carry):
        g2 = 2 + 2 * k
        for b in range(NBUF):
            g = g2 + b
            pb = 1 - b
            wait_store(g - 2, b)
            fire_gather(g, b)
            wait_gather(pb)
            fire_store(g - 1, pb)
        return carry

    lax.fori_loop(0, (STAGES - NBUF) // NBUF, pair, 0)

    wait_gather(1)
    fire_store(STAGES - 1, 1)
    wait_store(STAGES - 2, 0)
    wait_store(STAGES - 1, 1)


def _sc_gather(idx_flat, table):
    mesh = plsc.VectorSubcoreMesh(core_axis_name="c", subcore_axis_name="s",
                                  num_cores=NC, num_subcores=NS)
    fn = pl.kernel(
        _gather_body,
        out_type=jax.ShapeDtypeStruct((TOTAL, D), jnp.float32),
        mesh=mesh,
        scratch_types=[
            pltpu.VMEM((PER_TILE,), jnp.int32),
            pltpu.VMEM((NIDX, LANES), jnp.float32),
            pltpu.VMEM((NIDX, LANES), jnp.float32),
            pltpu.SemaphoreType.DMA,
            pltpu.SemaphoreType.DMA,
            pltpu.SemaphoreType.DMA,
            pltpu.SemaphoreType.DMA,
        ],
        compiler_params=pltpu.CompilerParams(use_tc_tiling_on_sc=False),
    )
    return fn(idx_flat, table)


LBLK_I = 4


def _item_body(x_ref, item_ref):
    for j in range(LBLK_I):
        v = x_ref[j]
        lt = jnp.transpose(v[:, :D])
        rt = jnp.transpose(v[:, D:])
        item_ref[j] = jnp.concatenate([lt, rt], axis=-1)


def _item_finish(x2):
    return pl.pallas_call(
        _item_body,
        grid=(L // LBLK_I,),
        in_specs=[pl.BlockSpec((LBLK_I, B // 2, 128), lambda i: (i, 0, 0))],
        out_specs=pl.BlockSpec((LBLK_I, D, B), lambda i: (i, 0, 0)),
        out_shape=jax.ShapeDtypeStruct((L, D, B), jnp.float32),
    )(x2)


LBLK_P = 8
BBLK = 2048


def _price_body(pt_ref, w_ref, b_ref, o_ref):
    p = pt_ref[...]
    w = w_ref[...].reshape(D, 1)
    bb = b_ref[...].reshape(D, 1)
    o_ref[...] = p[:, None, :] * w[None, :, :] + bb[None, :, :]


def _price_ldb(priceT, W, b):
    return pl.pallas_call(
        _price_body,
        grid=(L // LBLK_P, B // BBLK),
        in_specs=[
            pl.BlockSpec((LBLK_P, BBLK), lambda i, j: (i, j)),
            pl.BlockSpec((1, D), lambda i, j: (0, 0)),
            pl.BlockSpec((1, D), lambda i, j: (0, 0)),
        ],
        out_specs=pl.BlockSpec((LBLK_P, D, BBLK), lambda i, j: (i, 0, j)),
        out_shape=jax.ShapeDtypeStruct((L, D, B), jnp.float32),
    )(priceT, W, b)


_PERM = np.arange(B)
_PERM = (_PERM // 2) + (_PERM % 2) * (B // 2)


@jax.jit
def kernel(item_id, price, emb_table, W, b):
    idx_perm = jnp.take(item_id.T, jnp.asarray(_PERM), axis=1)
    idx_flat = idx_perm.reshape(TOTAL)
    table_pad = jnp.pad(emb_table, ((0, 0), (0, LANES - D)))
    packed = _sc_gather(idx_flat, table_pad)
    x2 = packed.reshape(L, B // 2, 128)
    item_ldb = _item_finish(x2)
    price_ldb = _price_ldb(price.T, W, b.reshape(1, D))
    item_emb = item_ldb.transpose(2, 0, 1)
    price_emb = price_ldb.transpose(2, 0, 1)
    return (item_emb, price_emb)

# --- scband reference (transcript-rebuilt; emitter-appended) ---
"""Pipeline reference for scband-sequential-embedder-71184787964057 (READ-ONLY COPY).

The authoritative reference and input builder live on the scoring server;
editing this copy changes nothing except your own understanding.
"""

import jax, jax.numpy as jnp
import numpy as np

B = 4096
L = 200
VOCAB = 1000000 + 1  # cardinality + 1 as in CategoricalEmbedding
D = 64


def setup_inputs(seed: int = 0) -> dict:
    key = jax.random.key(seed)
    k1, k2, k3, k4 = jax.random.split(key, 4)
    item_id = jax.random.randint(k1, (B, L), 0, 1000000, dtype=jnp.int64 if jax.config.jax_enable_x64 else jnp.int32).astype(jnp.int32)
    price = jax.random.normal(k2, (B, L), dtype=jnp.float32)
    emb_table = (jax.random.normal(k3, (VOCAB, D), dtype=jnp.float32) * 0.02)
    # padding_idx = 0 -> zero row, as torch.nn.Embedding(padding_idx=0)
    emb_table = emb_table.at[0].set(0.0)
    # NumericalEmbedding: torch.nn.Linear(tensor_dim=1, embed_size=64)
    W = jax.random.normal(k4, (1, D), dtype=jnp.float32) * 0.1  # stored transposed: (in, out)
    b = jnp.zeros((D,), dtype=jnp.float32)
    return {"item_id": item_id, "price": price, "emb_table": emb_table, "W": W, "b": b}


def reference(item_id, price, emb_table, W, b):
    # CategoricalEmbedding (non-list, sequential): plain embedding lookup
    item_emb = jnp.take(emb_table, item_id, axis=0)  # [B, L, D]
    # NumericalEmbedding (non-list): values.dim()==2 -> unsqueeze(-1) then Linear
    vals = price[..., None]  # [B, L, 1]
    price_emb = vals @ W + b  # [B, L, D]
    return (item_emb, price_emb)

if __name__ == "__main__":
    import jax
    _d = setup_inputs()
    print(jax.jit(kernel)(*tuple(_d.values())))

</pallas_src>

<mosaic_0001>
#map = affine_map<(d0, d1) -> (0)>
#map1 = affine_map<(d0, d1) -> (0, 0)>
module attributes {stable_mosaic.version = 14 : i64} {
  func.func @_gather_body(%arg0: i32, %arg1: i32, %arg2: memref<819200xi32, #tpu.memory_space<hbm>>, %arg3: memref<1000001x128xf32, #tpu.memory_space<hbm>>, %arg4: memref<819200x64xf32, #tpu.memory_space<hbm>>, %arg5: memref<25600xi32, #tpu.memory_space<vmem>>, %arg6: memref<320x128xf32, #tpu.memory_space<vmem>>, %arg7: memref<320x128xf32, #tpu.memory_space<vmem>>, %arg8: memref<!tpu.dma_semaphore, #tpu.memory_space<semaphore_mem>>, %arg9: memref<!tpu.dma_semaphore, #tpu.memory_space<semaphore_mem>>, %arg10: memref<!tpu.dma_semaphore, #tpu.memory_space<semaphore_mem>>, %arg11: memref<!tpu.dma_semaphore, #tpu.memory_space<semaphore_mem>>) attributes {dimension_semantics = [#tpu.dimension_semantics<core_parallel>, #tpu.dimension_semantics<subcore_parallel>], iteration_bounds = array<i64: 2, 16>, scalar_prefetch = 0 : i64, scratch_operands = 7 : i64, tpu.core_type = #tpu.core_type<sc_vector_subcore>, window_params = [{transform_indices = #map}, {transform_indices = #map1}, {transform_indices = #map1}]} {
    %mul3A = arith.constant 2 : i32
    %mul3A_0 = arith.muli %arg1, %mul3A : i32
    %add3A = arith.addi %mul3A_0, %arg0 : i32
    %mul3A_1 = arith.constant 25600 : i32
    %mul3A_2 = arith.muli %add3A, %mul3A_1 : i32
    "tpu.region"() ({
      %run_scoped3A = tpu.sem_alloc : memref<!tpu.dma_semaphore, #tpu.memory_space<semaphore_mem>>
      %dma_start3A_74 = tpu.memref_slice %arg2[%mul3A_2] : memref<819200xi32, #tpu.memory_space<hbm>> -> memref<25600xi32, #tpu.memory_space<hbm>>
      %dma_start3A_75 = tpu.memref_slice %arg2[%mul3A_2] : memref<819200xi32, #tpu.memory_space<hbm>> -> memref<25600xi32, #tpu.memory_space<hbm>>
      tpu.enqueue_dma source(%dma_start3A_75 : memref<25600xi32, #tpu.memory_space<hbm>>) target(%arg5 : memref<25600xi32, #tpu.memory_space<vmem>>) target_semaphore(%run_scoped3A : memref<!tpu.dma_semaphore, #tpu.memory_space<semaphore_mem>>)
      %dma_wait3A_76 = tpu.memref_slice %arg2[%mul3A_2] : memref<819200xi32, #tpu.memory_space<hbm>> -> memref<25600xi32, #tpu.memory_space<hbm>>
      %dma_wait3A_77 = tpu.memref_slice %arg2[%mul3A_2] : memref<819200xi32, #tpu.memory_space<hbm>> -> memref<25600xi32, #tpu.memory_space<hbm>>
      tpu.wait_dma2 semaphore(%run_scoped3A : memref<!tpu.dma_semaphore, #tpu.memory_space<semaphore_mem>>) src(%dma_wait3A_77 : memref<25600xi32, #tpu.memory_space<hbm>>) dst(%arg5 : memref<25600xi32, #tpu.memory_space<vmem>>)
      tpu.yield
    }) : () -> ()
    %dma_start3A = arith.constant 0 : i32
    %dma_start3A_3 = tpu.memref_slice %arg5[%dma_start3A] : memref<25600xi32, #tpu.memory_space<vmem>> -> memref<320xi32, #tpu.memory_space<vmem>>
    %dma_start3A_4 = arith.constant 0 : i32
    %dma_start3A_5 = arith.constant 0 : i32
    %dma_start3A_6 = tpu.memref_slice %arg3[%dma_start3A_4, %dma_start3A_5] : memref<1000001x128xf32, #tpu.memory_space<hbm>> -> memref<1000001x128xf32, #tpu.memory_space<hbm>>
    tpu.enqueue_indirect_dma source(%dma_start3A_6 : memref<1000001x128xf32, #tpu.memory_space<hbm>>) target(%arg6 : memref<320x128xf32, #tpu.memory_space<vmem>>) offsets(%dma_start3A_3 : memref<320xi32, #tpu.memory_space<vmem>>) semaphore(%arg8 : memref<!tpu.dma_semaphore, #tpu.memory_space<semaphore_mem>>)
    %dma_start3A_7 = arith.constant 320 : i32
    %dma_start3A_8 = tpu.memref_slice %arg5[%dma_start3A_7] : memref<25600xi32, #tpu.memory_space<vmem>> -> memref<320xi32, #tpu.memory_space<vmem>>
    %dma_start3A_9 = arith.constant 0 : i32
    %dma_start3A_10 = arith.constant 0 : i32
    %dma_start3A_11 = tpu.memref_slice %arg3[%dma_start3A_9, %dma_start3A_10] : memref<1000001x128xf32, #tpu.memory_space<hbm>> -> memref<1000001x128xf32, #tpu.memory_space<hbm>>
    tpu.enqueue_indirect_dma source(%dma_start3A_11 : memref<1000001x128xf32, #tpu.memory_space<hbm>>) target(%arg7 : memref<320x128xf32, #tpu.memory_space<vmem>>) offsets(%dma_start3A_8 : memref<320xi32, #tpu.memory_space<vmem>>) semaphore(%arg9 : memref<!tpu.dma_semaphore, #tpu.memory_space<semaphore_mem>>)
    %dma_wait3A = arith.constant 0 : i32
    %dma_wait3A_12 = tpu.memref_slice %arg5[%dma_wait3A] : memref<25600xi32, #tpu.memory_space<vmem>> -> memref<320xi32, #tpu.memory_space<vmem>>
    %dma_wait3A_13 = arith.constant 0 : i32
    %dma_wait3A_14 = arith.constant 0 : i32
    %dma_wait3A_15 = tpu.memref_slice %arg3[%dma_wait3A_13, %dma_wait3A_14] : memref<1000001x128xf32, #tpu.memory_space<hbm>> -> memref<1000001x128xf32, #tpu.memory_space<hbm>>
    tpu.wait_indirect_dma semaphore(%arg8 : memref<!tpu.dma_semaphore, #tpu.memory_space<semaphore_mem>>) src(%dma_wait3A_15 : memref<1000001x128xf32, #tpu.memory_space<hbm>>) dst(%arg6 : memref<320x128xf32, #tpu.memory_space<vmem>>)
    %add3A_16 = arith.constant 0 : i32
    %add3A_17 = arith.addi %mul3A_2, %add3A_16 : i32
    %dma_start3A_18 = arith.constant 0 : i32
    %dma_start3A_19 = arith.constant 0 : i32
    %dma_start3A_20 = tpu.memref_slice %arg6[%dma_start3A_18, %dma_start3A_19] : memref<320x128xf32, #tpu.memory_space<vmem>> -> memref<320x64xf32, #tpu.memory_space<vmem>>
    %dma_start3A_21 = arith.constant 0 : i32
    %dma_start3A_22 = tpu.memref_slice %arg4[%add3A_17, %dma_start3A_21] : memref<819200x64xf32, #tpu.memory_space<hbm>> -> memref<320x64xf32, #tpu.memory_space<hbm>>
    %dma_start3A_23 = arith.constant 0 : i32
    %dma_start3A_24 = tpu.memref_slice %arg4[%add3A_17, %dma_start3A_23] : memref<819200x64xf32, #tpu.memory_space<hbm>> -> memref<320x64xf32, #tpu.memory_space<hbm>>
    %dma_start3A_25 = arith.constant 0 : i32
    %dma_start3A_26 = arith.constant 0 : i32
    %dma_start3A_27 = tpu.memref_slice %arg6[%dma_start3A_25, %dma_start3A_26] : memref<320x128xf32, #tpu.memory_space<vmem>> -> memref<320x64xf32, #tpu.memory_space<vmem>>
    tpu.enqueue_dma source(%dma_start3A_27 : memref<320x64xf32, #tpu.memory_space<vmem>>) target(%dma_start3A_24 : memref<320x64xf32, #tpu.memory_space<hbm>>) target_semaphore(%arg10 : memref<!tpu.dma_semaphore, #tpu.memory_space<semaphore_mem>>)
    %scan3A = arith.constant 0 : i32
    %scan3A_28 = arith.constant 0 : i32
    %scan3A_29 = arith.constant 39 : i32
    %scan3A_30 = arith.addi %scan3A_28, %scan3A_29 : i32
    %scan3A_31 = arith.constant 1 : i32
    scf.for %scan3A_74 = %scan3A_28 to %scan3A_30 step %scan3A_31  : i32 {
      %mul3A_75 = arith.constant 2 : i32
      %mul3A_76 = arith.muli %mul3A_75, %scan3A_74 : i32
      %add3A_77 = arith.constant 2 : i32
      %add3A_78 = arith.addi %add3A_77, %mul3A_76 : i32
      %add3A_79 = arith.constant 0 : i32
      %add3A_80 = arith.addi %add3A_78, %add3A_79 : i32
      %sub3A = arith.constant 2 : i32
      %sub3A_81 = arith.subi %add3A_80, %sub3A : i32
      %mul3A_82 = arith.constant 320 : i32
      %mul3A_83 = arith.muli %sub3A_81, %mul3A_82 : i32
      %add3A_84 = arith.addi %mul3A_2, %mul3A_83 : i32
      %dma_wait3A_85 = arith.constant 0 : i32
      %dma_wait3A_86 = arith.constant 0 : i32
      %dma_wait3A_87 = tpu.memref_slice %arg6[%dma_wait3A_85, %dma_wait3A_86] : memref<320x128xf32, #tpu.memory_space<vmem>> -> memref<320x64xf32, #tpu.memory_space<vmem>>
      %dma_wait3A_88 = arith.constant 0 : i32
      %dma_wait3A_89 = tpu.memref_slice %arg4[%add3A_84, %dma_wait3A_88] : memref<819200x64xf32, #tpu.memory_space<hbm>> -> memref<320x64xf32, #tpu.memory_space<hbm>>
      %dma_wait3A_90 = arith.constant 0 : i32
      %dma_wait3A_91 = tpu.memref_slice %arg4[%add3A_84, %dma_wait3A_90] : memref<819200x64xf32, #tpu.memory_space<hbm>> -> memref<320x64xf32, #tpu.memory_space<hbm>>
      %dma_wait3A_92 = arith.constant 0 : i32
      %dma_wait3A_93 = arith.constant 0 : i32
      %dma_wait3A_94 = tpu.memref_slice %arg6[%dma_wait3A_92, %dma_wait3A_93] : memref<320x128xf32, #tpu.memory_space<vmem>> -> memref<320x64xf32, #tpu.memory_space<vmem>>
      tpu.wait_dma2 semaphore(%arg10 : memref<!tpu.dma_semaphore, #tpu.memory_space<semaphore_mem>>) src(%dma_wait3A_94 : memref<320x64xf32, #tpu.memory_space<vmem>>) dst(%dma_wait3A_91 : memref<320x64xf32, #tpu.memory_space<hbm>>)
      %mul3A_95 = arith.constant 320 : i32
      %mul3A_96 = arith.muli %add3A_80, %mul3A_95 : i32
      %dma_start3A_97 = tpu.memref_slice %arg5[%mul3A_96] : memref<25600xi32, #tpu.memory_space<vmem>> -> memref<320xi32, #tpu.memory_space<vmem>>
      %dma_start3A_98 = arith.constant 0 : i32
      %dma_start3A_99 = arith.constant 0 : i32
      %dma_start3A_100 = tpu.memref_slice %arg3[%dma_start3A_98, %dma_start3A_99] : memref<1000001x128xf32, #tpu.memory_space<hbm>> -> memref<1000001x128xf32, #tpu.memory_space<hbm>>
      tpu.enqueue_indirect_dma source(%dma_start3A_100 : memref<1000001x128xf32, #tpu.memory_space<hbm>>) target(%arg6 : memref<320x128xf32, #tpu.memory_space<vmem>>) offsets(%dma_start3A_97 : memref<320xi32, #tpu.memory_space<vmem>>) semaphore(%arg8 : memref<!tpu.dma_semaphore, #tpu.memory_space<semaphore_mem>>)
      %dma_wait3A_101 = arith.constant 0 : i32
      %dma_wait3A_102 = tpu.memref_slice %arg5[%dma_wait3A_101] : memref<25600xi32, #tpu.memory_space<vmem>> -> memref<320xi32, #tpu.memory_space<vmem>>
      %dma_wait3A_103 = arith.constant 0 : i32
      %dma_wait3A_104 = arith.constant 0 : i32
      %dma_wait3A_105 = tpu.memref_slice %arg3[%dma_wait3A_103, %dma_wait3A_104] : memref<1000001x128xf32, #tpu.memory_space<hbm>> -> memref<1000001x128xf32, #tpu.memory_space<hbm>>
      tpu.wait_indirect_dma semaphore(%arg9 : memref<!tpu.dma_semaphore, #tpu.memory_space<semaphore_mem>>) src(%dma_wait3A_105 : memref<1000001x128xf32, #tpu.memory_space<hbm>>) dst(%arg7 : memref<320x128xf32, #tpu.memory_space<vmem>>)
      %sub3A_106 = arith.constant 1 : i32
      %sub3A_107 = arith.subi %add3A_80, %sub3A_106 : i32
      %mul3A_108 = arith.constant 320 : i32
      %mul3A_109 = arith.muli %sub3A_107, %mul3A_108 : i32
      %add3A_110 = arith.addi %mul3A_2, %mul3A_109 : i32
      %dma_start3A_111 = arith.constant 0 : i32
      %dma_start3A_112 = arith.constant 0 : i32
      %dma_start3A_113 = tpu.memref_slice %arg7[%dma_start3A_111, %dma_start3A_112] : memref<320x128xf32, #tpu.memory_space<vmem>> -> memref<320x64xf32, #tpu.memory_space<vmem>>
      %dma_start3A_114 = arith.constant 0 : i32
      %dma_start3A_115 = tpu.memref_slice %arg4[%add3A_110, %dma_start3A_114] : memref<819200x64xf32, #tpu.memory_space<hbm>> -> memref<320x64xf32, #tpu.memory_space<hbm>>
      %dma_start3A_116 = arith.constant 0 : i32
      %dma_start3A_117 = tpu.memref_slice %arg4[%add3A_110, %dma_start3A_116] : memref<819200x64xf32, #tpu.memory_space<hbm>> -> memref<320x64xf32, #tpu.memory_space<hbm>>
      %dma_start3A_118 = arith.constant 0 : i32
      %dma_start3A_119 = arith.constant 0 : i32
      %dma_start3A_120 = tpu.memref_slice %arg7[%dma_start3A_118, %dma_start3A_119] : memref<320x128xf32, #tpu.memory_space<vmem>> -> memref<320x64xf32, #tpu.memory_space<vmem>>
      tpu.enqueue_dma source(%dma_start3A_120 : memref<320x64xf32, #tpu.memory_space<vmem>>) target(%dma_start3A_117 : memref<320x64xf32, #tpu.memory_space<hbm>>) target_semaphore(%arg11 : memref<!tpu.dma_semaphore, #tpu.memory_space<semaphore_mem>>)
      %add3A_121 = arith.constant 1 : i32
      %add3A_122 = arith.addi %add3A_78, %add3A_121 : i32
      %sub3A_123 = arith.constant 2 : i32
      %sub3A_124 = arith.subi %add3A_122, %sub3A_123 : i32
      %mul3A_125 = arith.constant 320 : i32
      %mul3A_126 = arith.muli %sub3A_124, %mul3A_125 : i32
      %add3A_127 = arith.addi %mul3A_2, %mul3A_126 : i32
      %dma_wait3A_128 = arith.constant 0 : i32
      %dma_wait3A_129 = arith.constant 0 : i32
      %dma_wait3A_130 = tpu.memref_slice %arg7[%dma_wait3A_128, %dma_wait3A_129] : memref<320x128xf32, #tpu.memory_space<vmem>> -> memref<320x64xf32, #tpu.memory_space<vmem>>
      %dma_wait3A_131 = arith.constant 0 : i32
      %dma_wait3A_132 = tpu.memref_slice %arg4[%add3A_127, %dma_wait3A_131] : memref<819200x64xf32, #tpu.memory_space<hbm>> -> memref<320x64xf32, #tpu.memory_space<hbm>>
      %dma_wait3A_133 = arith.constant 0 : i32
      %dma_wait3A_134 = tpu.memref_slice %arg4[%add3A_127, %dma_wait3A_133] : memref<819200x64xf32, #tpu.memory_space<hbm>> -> memref<320x64xf32, #tpu.memory_space<hbm>>
      %dma_wait3A_135 = arith.constant 0 : i32
      %dma_wait3A_136 = arith.constant 0 : i32
      %dma_wait3A_137 = tpu.memref_slice %arg7[%dma_wait3A_135, %dma_wait3A_136] : memref<320x128xf32, #tpu.memory_space<vmem>> -> memref<320x64xf32, #tpu.memory_space<vmem>>
      tpu.wait_dma2 semaphore(%arg11 : memref<!tpu.dma_semaphore, #tpu.memory_space<semaphore_mem>>) src(%dma_wait3A_137 : memref<320x64xf32, #tpu.memory_space<vmem>>) dst(%dma_wait3A_134 : memref<320x64xf32, #tpu.memory_space<hbm>>)
      %mul3A_138 = arith.constant 320 : i32
      %mul3A_139 = arith.muli %add3A_122, %mul3A_138 : i32
      %dma_start3A_140 = tpu.memref_slice %arg5[%mul3A_139] : memref<25600xi32, #tpu.memory_space<vmem>> -> memref<320xi32, #tpu.memory_space<vmem>>
      %dma_start3A_141 = arith.constant 0 : i32
      %dma_start3A_142 = arith.constant 0 : i32
      %dma_start3A_143 = tpu.memref_slice %arg3[%dma_start3A_141, %dma_start3A_142] : memref<1000001x128xf32, #tpu.memory_space<hbm>> -> memref<1000001x128xf32, #tpu.memory_space<hbm>>
      tpu.enqueue_indirect_dma source(%dma_start3A_143 : memref<1000001x128xf32, #tpu.memory_space<hbm>>) target(%arg7 : memref<320x128xf32, #tpu.memory_space<vmem>>) offsets(%dma_start3A_140 : memref<320xi32, #tpu.memory_space<vmem>>) semaphore(%arg9 : memref<!tpu.dma_semaphore, #tpu.memory_space<semaphore_mem>>)
      %dma_wait3A_144 = arith.constant 0 : i32
      %dma_wait3A_145 = tpu.memref_slice %arg5[%dma_wait3A_144] : memref<25600xi32, #tpu.memory_space<vmem>> -> memref<320xi32, #tpu.memory_space<vmem>>
      %dma_wait3A_146 = arith.constant 0 : i32
      %dma_wait3A_147 = arith.constant 0 : i32
      %dma_wait3A_148 = tpu.memref_slice %arg3[%dma_wait3A_146, %dma_wait3A_147] : memref<1000001x128xf32, #tpu.memory_space<hbm>> -> memref<1000001x128xf32, #tpu.memory_space<hbm>>
      tpu.wait_indirect_dma semaphore(%arg8 : memref<!tpu.dma_semaphore, #tpu.memory_space<semaphore_mem>>) src(%dma_wait3A_148 : memref<1000001x128xf32, #tpu.memory_space<hbm>>) dst(%arg6 : memref<320x128xf32, #tpu.memory_space<vmem>>)
      %sub3A_149 = arith.constant 1 : i32
      %sub3A_150 = arith.subi %add3A_122, %sub3A_149 : i32
      %mul3A_151 = arith.constant 320 : i32
      %mul3A_152 = arith.muli %sub3A_150, %mul3A_151 : i32
      %add3A_153 = arith.addi %mul3A_2, %mul3A_152 : i32
      %dma_start3A_154 = arith.constant 0 : i32
      %dma_start3A_155 = arith.constant 0 : i32
      %dma_start3A_156 = tpu.memref_slice %arg6[%dma_start3A_154, %dma_start3A_155] : memref<320x128xf32, #tpu.memory_space<vmem>> -> memref<320x64xf32, #tpu.memory_space<vmem>>
      %dma_start3A_157 = arith.constant 0 : i32
      %dma_start3A_158 = tpu.memref_slice %arg4[%add3A_153, %dma_start3A_157] : memref<819200x64xf32, #tpu.memory_space<hbm>> -> memref<320x64xf32, #tpu.memory_space<hbm>>
      %dma_start3A_159 = arith.constant 0 : i32
      %dma_start3A_160 = tpu.memref_slice %arg4[%add3A_153, %dma_start3A_159] : memref<819200x64xf32, #tpu.memory_space<hbm>> -> memref<320x64xf32, #tpu.memory_space<hbm>>
      %dma_start3A_161 = arith.constant 0 : i32
      %dma_start3A_162 = arith.constant 0 : i32
      %dma_start3A_163 = tpu.memref_slice %arg6[%dma_start3A_161, %dma_start3A_162] : memref<320x128xf32, #tpu.memory_space<vmem>> -> memref<320x64xf32, #tpu.memory_space<vmem>>
      tpu.enqueue_dma source(%dma_start3A_163 : memref<320x64xf32, #tpu.memory_space<vmem>>) target(%dma_start3A_160 : memref<320x64xf32, #tpu.memory_space<hbm>>) target_semaphore(%arg10 : memref<!tpu.dma_semaphore, #tpu.memory_space<semaphore_mem>>)
    }
    %scan3A_32 = arith.constant 39 : i32
    %dma_wait3A_33 = arith.constant 0 : i32
    %dma_wait3A_34 = tpu.memref_slice %arg5[%dma_wait3A_33] : memref<25600xi32, #tpu.memory_space<vmem>> -> memref<320xi32, #tpu.memory_space<vmem>>
    %dma_wait3A_35 = arith.constant 0 : i32
    %dma_wait3A_36 = arith.constant 0 : i32
    %dma_wait3A_37 = tpu.memref_slice %arg3[%dma_wait3A_35, %dma_wait3A_36] : memref<1000001x128xf32, #tpu.memory_space<hbm>> -> memref<1000001x128xf32, #tpu.memory_space<hbm>>
    tpu.wait_indirect_dma semaphore(%arg9 : memref<!tpu.dma_semaphore, #tpu.memory_space<semaphore_mem>>) src(%dma_wait3A_37 : memref<1000001x128xf32, #tpu.memory_space<hbm>>) dst(%arg7 : memref<320x128xf32, #tpu.memory_space<vmem>>)
    %add3A_38 = arith.constant 25280 : i32
    %add3A_39 = arith.addi %mul3A_2, %add3A_38 : i32
    %dma_start3A_40 = arith.constant 0 : i32
    %dma_start3A_41 = arith.constant 0 : i32
    %dma_start3A_42 = tpu.memref_slice %arg7[%dma_start3A_40, %dma_start3A_41] : memref<320x128xf32, #tpu.memory_space<vmem>> -> memref<320x64xf32, #tpu.memory_space<vmem>>
    %dma_start3A_43 = arith.constant 0 : i32
    %dma_start3A_44 = tpu.memref_slice %arg4[%add3A_39, %dma_start3A_43] : memref<819200x64xf32, #tpu.memory_space<hbm>> -> memref<320x64xf32, #tpu.memory_space<hbm>>
    %dma_start3A_45 = arith.constant 0 : i32
    %dma_start3A_46 = tpu.memref_slice %arg4[%add3A_39, %dma_start3A_45] : memref<819200x64xf32, #tpu.memory_space<hbm>> -> memref<320x64xf32, #tpu.memory_space<hbm>>
    %dma_start3A_47 = arith.constant 0 : i32
    %dma_start3A_48 = arith.constant 0 : i32
    %dma_start3A_49 = tpu.memref_slice %arg7[%dma_start3A_47, %dma_start3A_48] : memref<320x128xf32, #tpu.memory_space<vmem>> -> memref<320x64xf32, #tpu.memory_space<vmem>>
    tpu.enqueue_dma source(%dma_start3A_49 : memref<320x64xf32, #tpu.memory_space<vmem>>) target(%dma_start3A_46 : memref<320x64xf32, #tpu.memory_space<hbm>>) target_semaphore(%arg11 : memref<!tpu.dma_semaphore, #tpu.memory_space<semaphore_mem>>)
    %add3A_50 = arith.constant 24960 : i32
    %add3A_51 = arith.addi %mul3A_2, %add3A_50 : i32
    %dma_wait3A_52 = arith.constant 0 : i32
    %dma_wait3A_53 = arith.constant 0 : i32
    %dma_wait3A_54 = tpu.memref_slice %arg6[%dma_wait3A_52, %dma_wait3A_53] : memref<320x128xf32, #tpu.memory_space<vmem>> -> memref<320x64xf32, #tpu.memory_space<vmem>>
    %dma_wait3A_55 = arith.constant 0 : i32
    %dma_wait3A_56 = tpu.memref_slice %arg4[%add3A_51, %dma_wait3A_55] : memref<819200x64xf32, #tpu.memory_space<hbm>> -> memref<320x64xf32, #tpu.memory_space<hbm>>
    %dma_wait3A_57 = arith.constant 0 : i32
    %dma_wait3A_58 = tpu.memref_slice %arg4[%add3A_51, %dma_wait3A_57] : memref<819200x64xf32, #tpu.memory_space<hbm>> -> memref<320x64xf32, #tpu.memory_space<hbm>>
    %dma_wait3A_59 = arith.constant 0 : i32
    %dma_wait3A_60 = arith.constant 0 : i32
    %dma_wait3A_61 = tpu.memref_slice %arg6[%dma_wait3A_59, %dma_wait3A_60] : memref<320x128xf32, #tpu.memory_space<vmem>> -> memref<320x64xf32, #tpu.memory_space<vmem>>
    tpu.wait_dma2 semaphore(%arg10 : memref<!tpu.dma_semaphore, #tpu.memory_space<semaphore_mem>>) src(%dma_wait3A_61 : memref<320x64xf32, #tpu.memory_space<vmem>>) dst(%dma_wait3A_58 : memref<320x64xf32, #tpu.memory_space<hbm>>)
    %add3A_62 = arith.constant 25280 : i32
    %add3A_63 = arith.addi %mul3A_2, %add3A_62 : i32
    %dma_wait3A_64 = arith.constant 0 : i32
    %dma_wait3A_65 = arith.constant 0 : i32
    %dma_wait3A_66 = tpu.memref_slice %arg7[%dma_wait3A_64, %dma_wait3A_65] : memref<320x128xf32, #tpu.memory_space<vmem>> -> memref<320x64xf32, #tpu.memory_space<vmem>>
    %dma_wait3A_67 = arith.constant 0 : i32
    %dma_wait3A_68 = tpu.memref_slice %arg4[%add3A_63, %dma_wait3A_67] : memref<819200x64xf32, #tpu.memory_space<hbm>> -> memref<320x64xf32, #tpu.memory_space<hbm>>
    %dma_wait3A_69 = arith.constant 0 : i32
    %dma_wait3A_70 = tpu.memref_slice %arg4[%add3A_63, %dma_wait3A_69] : memref<819200x64xf32, #tpu.memory_space<hbm>> -> memref<320x64xf32, #tpu.memory_space<hbm>>
    %dma_wait3A_71 = arith.constant 0 : i32
    %dma_wait3A_72 = arith.constant 0 : i32
    %dma_wait3A_73 = tpu.memref_slice %arg7[%dma_wait3A_71, %dma_wait3A_72] : memref<320x128xf32, #tpu.memory_space<vmem>> -> memref<320x64xf32, #tpu.memory_space<vmem>>
    tpu.wait_dma2 semaphore(%arg11 : memref<!tpu.dma_semaphore, #tpu.memory_space<semaphore_mem>>) src(%dma_wait3A_73 : memref<320x64xf32, #tpu.memory_space<vmem>>) dst(%dma_wait3A_70 : memref<320x64xf32, #tpu.memory_space<hbm>>)
    return
  }
}

module attributes {stable_mosaic.version = 14 : i64} {
  func.func @_price_body(%arg0: i32, %arg1: i32, %arg2: memref<8x2048xf32, #tpu.memory_space<vmem>>, %arg3: memref<1x64xf32, #tpu.memory_space<vmem>>, %arg4: memref<1x64xf32, #tpu.memory_space<vmem>>, %arg5: memref<8x64x2048xf32, #tpu.memory_space<vmem>>) attributes {dimension_semantics = [#tpu.dimension_semantics<arbitrary>, #tpu.dimension_semantics<arbitrary>], iteration_bounds = array<i64: 25, 2>, scalar_prefetch = 0 : i64, scratch_operands = 0 : i64, tpu.core_type = #tpu.core_type<tc>, window_params = [{transform_indices = @transform_0, window_bounds = array<i64: 8, 2048>}, {pipeline_mode = #tpu.pipeline_mode<synchronous>, transform_indices = @transform_1, window_bounds = array<i64: 1, 64>}, {pipeline_mode = #tpu.pipeline_mode<synchronous>, transform_indices = @transform_2, window_bounds = array<i64: 1, 64>}, {transform_indices = @transform_3, window_bounds = array<i64: 8, 64, 2048>}]} {
    %get3A = arith.constant 0 : index
    %get3A_0 = arith.constant 0 : index
    %get3A_1 = vector.load %arg2[%get3A, %get3A_0] : memref<8x2048xf32, #tpu.memory_space<vmem>>, vector<8x2048xf32>
    %get3A_2 = arith.constant 0 : index
    %get3A_3 = arith.constant 0 : index
    %get3A_4 = vector.load %arg3[%get3A_2, %get3A_3] : memref<1x64xf32, #tpu.memory_space<vmem>>, vector<1x64xf32>
    %reshape3A = vector.shape_cast %get3A_4 : vector<1x64xf32> to vector<64x1xf32>
    %get3A_5 = arith.constant 0 : index
    %get3A_6 = arith.constant 0 : index
    %get3A_7 = vector.load %arg4[%get3A_5, %get3A_6] : memref<1x64xf32, #tpu.memory_space<vmem>>, vector<1x64xf32>
    %reshape3A_8 = vector.shape_cast %get3A_7 : vector<1x64xf32> to vector<64x1xf32>
    %broadcast_in_dim3A = vector.shape_cast %get3A_1 : vector<8x2048xf32> to vector<8x1x2048xf32>
    %broadcast_in_dim3A_9 = vector.shape_cast %reshape3A : vector<64x1xf32> to vector<1x64x1xf32>
    %mul3A = vector.broadcast %broadcast_in_dim3A : vector<8x1x2048xf32> to vector<8x64x2048xf32>
    %mul3A_10 = vector.broadcast %broadcast_in_dim3A_9 : vector<1x64x1xf32> to vector<8x64x2048xf32>
    %mul3A_11 = arith.mulf %mul3A, %mul3A_10 : vector<8x64x2048xf32>
    %broadcast_in_dim3A_12 = vector.shape_cast %reshape3A_8 : vector<64x1xf32> to vector<1x64x1xf32>
    %add3A = vector.broadcast %broadcast_in_dim3A_12 : vector<1x64x1xf32> to vector<8x64x2048xf32>
    %add3A_13 = arith.addf %mul3A_11, %add3A : vector<8x64x2048xf32>
    %swap3A = arith.constant 0 : index
    %swap3A_14 = arith.constant 0 : index
    %swap3A_15 = arith.constant 0 : index
    %swap3A_16 = vector.load %arg5[%swap3A, %swap3A_14, %swap3A_15] : memref<8x64x2048xf32, #tpu.memory_space<vmem>>, vector<8x64x2048xf32>
    tpu.vector_store %arg5[%swap3A, %swap3A_14, %swap3A_15], %add3A_13 {strides = array<i32>} : memref<8x64x2048xf32, #tpu.memory_space<vmem>>, vector<8x64x2048xf32>,
    return
  }
  func.func @transform_0(%arg0: i32, %arg1: i32) -> (i32, i32) {
    %c0_i32 = arith.constant 0 : i32
    return %arg0, %arg1 : i32, i32
  }
  func.func @transform_1(%arg0: i32, %arg1: i32) -> (i32, i32) {
    %c0_i32 = arith.constant 0 : i32
    %c0_i32_0 = arith.constant 0 : i32
    %c0_i32_1 = arith.constant 0 : i32
    return %c0_i32, %c0_i32_0 : i32, i32
  }
  func.func @transform_2(%arg0: i32, %arg1: i32) -> (i32, i32) {
    %c0_i32 = arith.constant 0 : i32
    %c0_i32_0 = arith.constant 0 : i32
    %c0_i32_1 = arith.constant 0 : i32
    return %c0_i32, %c0_i32_0 : i32, i32
  }
  func.func @transform_3(%arg0: i32, %arg1: i32) -> (i32, i32, i32) {
    %c0_i32 = arith.constant 0 : i32
    %c0_i32_0 = arith.constant 0 : i32
    return %arg0, %c0_i32, %arg1 : i32, i32, i32
  }
}

module attributes {stable_mosaic.version = 14 : i64} {
  func.func @_item_body(%arg0: i32, %arg1: memref<4x2048x128xf32, #tpu.memory_space<vmem>>, %arg2: memref<4x64x4096xf32, #tpu.memory_space<vmem>>) attributes {dimension_semantics = [#tpu.dimension_semantics<arbitrary>], iteration_bounds = array<i64: 50>, scalar_prefetch = 0 : i64, scratch_operands = 0 : i64, tpu.core_type = #tpu.core_type<tc>, window_params = [{transform_indices = @transform_0, window_bounds = array<i64: 4, 2048, 128>}, {transform_indices = @transform_1, window_bounds = array<i64: 4, 64, 4096>}]} {
    %get3A = arith.constant 0 : index
    %get3A_0 = arith.constant 0 : index
    %get3A_1 = arith.constant 0 : index
    %get3A_2 = vector.load %arg1[%get3A, %get3A_0, %get3A_1] : memref<4x2048x128xf32, #tpu.memory_space<vmem>>, vector<1x2048x128xf32>
    %get3A_3 = vector.shape_cast %get3A_2 : vector<1x2048x128xf32> to vector<2048x128xf32>
    %slice3A = vector.extract_strided_slice %get3A_3 {offsets = [0, 0], sizes = [2048, 64], strides = [1, 1]} : vector<2048x128xf32> to vector<2048x64xf32>
    %transpose3A = tpu.transpose %slice3A, [1, 0] : vector<2048x64xf32> -> vector<64x2048xf32>
    %slice3A_4 = vector.extract_strided_slice %get3A_3 {offsets = [0, 64], sizes = [2048, 64], strides = [1, 1]} : vector<2048x128xf32> to vector<2048x64xf32>
    %transpose3A_5 = tpu.transpose %slice3A_4, [1, 0] : vector<2048x64xf32> -> vector<64x2048xf32>
    %concatenate3A = tpu.concatenate %transpose3A, %transpose3A_5 in 1 : vector<64x2048xf32>, vector<64x2048xf32> -> vector<64x4096xf32>
    %swap3A = arith.constant 0 : index
    %swap3A_6 = arith.constant 0 : index
    %swap3A_7 = arith.constant 0 : index
    %swap3A_8 = vector.load %arg2[%swap3A, %swap3A_6, %swap3A_7] : memref<4x64x4096xf32, #tpu.memory_space<vmem>>, vector<1x64x4096xf32>
    %swap3A_9 = vector.shape_cast %swap3A_8 : vector<1x64x4096xf32> to vector<64x4096xf32>
    %swap3A_10 = vector.shape_cast %concatenate3A : vector<64x4096xf32> to vector<1x64x4096xf32>
    tpu.vector_store %arg2[%swap3A, %swap3A_6, %swap3A_7], %swap3A_10 {strides = array<i32>} : memref<4x64x4096xf32, #tpu.memory_space<vmem>>, vector<1x64x4096xf32>,
    %get3A_11 = arith.constant 1 : index
    %get3A_12 = arith.constant 0 : index
    %get3A_13 = arith.constant 0 : index
    %get3A_14 = vector.load %arg1[%get3A_11, %get3A_12, %get3A_13] : memref<4x2048x128xf32, #tpu.memory_space<vmem>>, vector<1x2048x128xf32>
    %get3A_15 = vector.shape_cast %get3A_14 : vector<1x2048x128xf32> to vector<2048x128xf32>
    %slice3A_16 = vector.extract_strided_slice %get3A_15 {offsets = [0, 0], sizes = [2048, 64], strides = [1, 1]} : vector<2048x128xf32> to vector<2048x64xf32>
    %transpose3A_17 = tpu.transpose %slice3A_16, [1, 0] : vector<2048x64xf32> -> vector<64x2048xf32>
    %slice3A_18 = vector.extract_strided_slice %get3A_15 {offsets = [0, 64], sizes = [2048, 64], strides = [1, 1]} : vector<2048x128xf32> to vector<2048x64xf32>
    %transpose3A_19 = tpu.transpose %slice3A_18, [1, 0] : vector<2048x64xf32> -> vector<64x2048xf32>
    %concatenate3A_20 = tpu.concatenate %transpose3A_17, %transpose3A_19 in 1 : vector<64x2048xf32>, vector<64x2048xf32> -> vector<64x4096xf32>
    %swap3A_21 = arith.constant 1 : index
    %swap3A_22 = arith.constant 0 : index
    %swap3A_23 = arith.constant 0 : index
    %swap3A_24 = vector.load %arg2[%swap3A_21, %swap3A_22, %swap3A_23] : memref<4x64x4096xf32, #tpu.memory_space<vmem>>, vector<1x64x4096xf32>
    %swap3A_25 = vector.shape_cast %swap3A_24 : vector<1x64x4096xf32> to vector<64x4096xf32>
    %swap3A_26 = vector.shape_cast %concatenate3A_20 : vector<64x4096xf32> to vector<1x64x4096xf32>
    tpu.vector_store %arg2[%swap3A_21, %swap3A_22, %swap3A_23], %swap3A_26 {strides = array<i32>} : memref<4x64x4096xf32, #tpu.memory_space<vmem>>, vector<1x64x4096xf32>,
    %get3A_27 = arith.constant 2 : index
    %get3A_28 = arith.constant 0 : index
    %get3A_29 = arith.constant 0 : index
    %get3A_30 = vector.load %arg1[%get3A_27, %get3A_28, %get3A_29] : memref<4x2048x128xf32, #tpu.memory_space<vmem>>, vector<1x2048x128xf32>
    %get3A_31 = vector.shape_cast %get3A_30 : vector<1x2048x128xf32> to vector<2048x128xf32>
    %slice3A_32 = vector.extract_strided_slice %get3A_31 {offsets = [0, 0], sizes = [2048, 64], strides = [1, 1]} : vector<2048x128xf32> to vector<2048x64xf32>
    %transpose3A_33 = tpu.transpose %slice3A_32, [1, 0] : vector<2048x64xf32> -> vector<64x2048xf32>
    %slice3A_34 = vector.extract_strided_slice %get3A_31 {offsets = [0, 64], sizes = [2048, 64], strides = [1, 1]} : vector<2048x128xf32> to vector<2048x64xf32>
    %transpose3A_35 = tpu.transpose %slice3A_34, [1, 0] : vector<2048x64xf32> -> vector<64x2048xf32>
    %concatenate3A_36 = tpu.concatenate %transpose3A_33, %transpose3A_35 in 1 : vector<64x2048xf32>, vector<64x2048xf32> -> vector<64x4096xf32>
    %swap3A_37 = arith.constant 2 : index
    %swap3A_38 = arith.constant 0 : index
    %swap3A_39 = arith.constant 0 : index
    %swap3A_40 = vector.load %arg2[%swap3A_37, %swap3A_38, %swap3A_39] : memref<4x64x4096xf32, #tpu.memory_space<vmem>>, vector<1x64x4096xf32>
    %swap3A_41 = vector.shape_cast %swap3A_40 : vector<1x64x4096xf32> to vector<64x4096xf32>
    %swap3A_42 = vector.shape_cast %concatenate3A_36 : vector<64x4096xf32> to vector<1x64x4096xf32>
    tpu.vector_store %arg2[%swap3A_37, %swap3A_38, %swap3A_39], %swap3A_42 {strides = array<i32>} : memref<4x64x4096xf32, #tpu.memory_space<vmem>>, vector<1x64x4096xf32>,
    %get3A_43 = arith.constant 3 : index
    %get3A_44 = arith.constant 0 : index
    %get3A_45 = arith.constant 0 : index
    %get3A_46 = vector.load %arg1[%get3A_43, %get3A_44, %get3A_45] : memref<4x2048x128xf32, #tpu.memory_space<vmem>>, vector<1x2048x128xf32>
    %get3A_47 = vector.shape_cast %get3A_46 : vector<1x2048x128xf32> to vector<2048x128xf32>
    %slice3A_48 = vector.extract_strided_slice %get3A_47 {offsets = [0, 0], sizes = [2048, 64], strides = [1, 1]} : vector<2048x128xf32> to vector<2048x64xf32>
    %transpose3A_49 = tpu.transpose %slice3A_48, [1, 0] : vector<2048x64xf32> -> vector<64x2048xf32>
    %slice3A_50 = vector.extract_strided_slice %get3A_47 {offsets = [0, 64], sizes = [2048, 64], strides = [1, 1]} : vector<2048x128xf32> to vector<2048x64xf32>
    %transpose3A_51 = tpu.transpose %slice3A_50, [1, 0] : vector<2048x64xf32> -> vector<64x2048xf32>
    %concatenate3A_52 = tpu.concatenate %transpose3A_49, %transpose3A_51 in 1 : vector<64x2048xf32>, vector<64x2048xf32> -> vector<64x4096xf32>
    %swap3A_53 = arith.constant 3 : index
    %swap3A_54 = arith.constant 0 : index
    %swap3A_55 = arith.constant 0 : index
    %swap3A_56 = vector.load %arg2[%swap3A_53, %swap3A_54, %swap3A_55] : memref<4x64x4096xf32, #tpu.memory_space<vmem>>, vector<1x64x4096xf32>
    %swap3A_57 = vector.shape_cast %swap3A_56 : vector<1x64x4096xf32> to vector<64x4096xf32>
    %swap3A_58 = vector.shape_cast %concatenate3A_52 : vector<64x4096xf32> to vector<1x64x4096xf32>
    tpu.vector_store %arg2[%swap3A_53, %swap3A_54, %swap3A_55], %swap3A_58 {strides = array<i32>} : memref<4x64x4096xf32, #tpu.memory_space<vmem>>, vector<1x64x4096xf32>,
    return
  }
  func.func @transform_0(%arg0: i32) -> (i32, i32, i32) {
    %c0_i32 = arith.constant 0 : i32
    %c0_i32_0 = arith.constant 0 : i32
    %c0_i32_1 = arith.constant 0 : i32
    return %arg0, %c0_i32, %c0_i32_0 : i32, i32, i32
  }
  func.func @transform_1(%arg0: i32) -> (i32, i32, i32) {
    %c0_i32 = arith.constant 0 : i32
    %c0_i32_0 = arith.constant 0 : i32
    %c0_i32_1 = arith.constant 0 : i32
    return %arg0, %c0_i32, %c0_i32_0 : i32, i32, i32
  }
}

</mosaic_0001>

<sc_bundles>
// kernel: gather_offload_async_start
scs
__scs_entry_jumppad:
0x0: {  	(pc) =	sbr.rel $0x88, $3  }
0x1: {  	(tag) =	ssettag $0x0;
	lr =	simm.s32 $0x1  }
0x2: {  	[smem:$0x3F9C] =	sst lr;
	_ =	strace $0xD0000000  }
0x3: {  	_ = 	snop  }
0x4: {  	_ = 	snop  }
0x5: {  	_ = 	snop  }
0x6: {  	_ = 	snop  }
0x7: {  	_ = 	snop  }
__scs_overlays_trampoline_lowered:
0x8: {  	[smem:$0x3FAB] =	sst s0  }
0x9: {  	[smem:$0x3FAC] =	sst s1  }
0xa: {  	[smem:$0x3FAD] =	sst s2  }
0xb: {  	[smem:$0x3FAE] =	sst s3  }
0xc: {  	[smem:$0x3FAF] =	sst s4  }
0xd: {  	[smem:$0x3FB0] =	sst s5  }
0xe: {  	[smem:$0x3FB1] =	sst s6  }
0xf: {  	[smem:$0x3FB2] =	sst s7  }
0x10: {  	[smem:$0x3FB3] =	sst s8  }
0x11: {  	[smem:$0x3FB4] =	sst s9;
	s0 =	simm.s32 @!p0 $0x0  }
0x12: {  	s1 =	sld [smem:$0x3F9A];
	s0 =	simm.s32 @p0 $0x1  }
0x13: {  	[smem:$0x3FB5] =	sst s0;
	s0 =	simm.s32 @!p1 $0x0  }
0x14: {  	s2 =	sld [smem:$0x3F99];
	s0 =	simm.s32 @p1 $0x1  }
0x15: {  	[smem:$0x3FB6] =	sst s0;
	s0 =	simm.s32 @!p2 $0x0  }
0x16: {  	s3 =	sld [smem:$0x3FDB];
	s0 =	simm.s32 @p2 $0x1  }
0x17: {  	s4 =	simm.s32 $0x1BF5;
	[smem:$0x3FB8] =	sst s0  }
0x18: {  	s0 =	sld [smem:$0x3F9B];
	_ =	swait.ge [sflag:s4], $0x0  }
0x19: {  	s7 =	sld [smem:$0x3F9C]  }
0x1a: {  	s8 =	sadd.s32 $0xFFFFE003, lr  }
0x1b: {  	s9 =	sadd.s32 $0xFFFFFEF7, lr;
	s5 =	simm.s32 $0xFFFFFFFF;
	p2 =	slt.u32 s8, $0xFFFFF086  }
0x1c: {  	p1 =	slt.u32 s9, $0xF7A;
	s5 =	simm.s32 @!p2 $0x0  }
0x1d: {  	s5 =	simm.s32 @p1 $0x1;
	p0 =	seq.s32 s7, s2  }
0x1e: {  	s7 =	smul.u32 @!p0 $0xF7A, s2;
	p2 =	seq.s32 @!p0 s5, $0x0  }
0x1f: {  	s9 =	smul.u32 $0xF7A, s1;
	s8 =	simm.s32 @!p0 $0x1BF5;
	p2 =	por !p2, p0  }
0x20: {  	[sflag:s8] =	ssyncset.s32 @!p0 $0xFFFFF086;
	s6 =	sadd.s32 @!p0 s3, s7;
	s7 =	simm.s32 @!p0 $0x108  }
0x21: {  	s3 =	sadd.s32 s3, s9;
	s6 =	sadd.s32 @!p0 $0x88, s6;
	s7 =	simm.s32 @p2 $0x1082  }
0x22: {  	[simem:s7], [sflag:s8] =	dma.local @!p0 [hbm:s6], $0xF7A  }
0x23: {  	s9 =	sor.u32 $0xD0000000, s2;
	s6 =	simm.s32 $0x108;
	_ =	swait.ge @!p0 [sflag:s8], $0x0  }
0x24: {  	s3 =	sadd.s32 $0x88, s3;
	s6 =	simm.s32 @!p1 $0x1082;
	[sflag:s4] =	ssyncset.s32 $0xFFFFF086  }
0x25: {  	[simem:s6], [sflag:s4] =	dma.local [hbm:s3], $0xF7A  }
0x26: {  	[smem:$0x3F9C] =	sst s1;
	(tag) =	ssettag s2;
	_ =	strace s9  }
0x27: {  	s1 =	sld [smem:$0x3FAC]  }
0x28: {  	s2 =	sld [smem:$0x3FAD]  }
0x29: {  	s4 =	sld [smem:$0x3FAF]  }
0x2a: {  	p0 =	seq.s32 s5, $0x0;
	s5 =	sld [smem:$0x3FB0]  }
0x2b: {  	s6 =	sld [smem:$0x3FB1]  }
0x2c: {  	s7 =	sld [smem:$0x3FB2]  }
0x2d: {  	s3 =	simm.s32 $0x108;
	s8 =	sld [smem:$0x3FB3]  }
0x2e: {  	s3 =	simm.s32 @!p0 $0x1082;
	s9 =	sld [smem:$0x3FB4]  }
0x2f: {  	lr =	sadd.s32 s0, s3;
	s0 =	sld [smem:$0x3FAB]  }
0x30: {  	s3 =	sld [smem:$0x3FAE]  }
0x31: {  	[smem:$0x3FB7] =	sst s10  }
0x32: {  	s10 =	sld [smem:$0x3FB5];
	_ =	sdelay $0x3  }
0x33: {  	p0 =	seq.s32 s10, $0x1;
	s10 =	sld [smem:$0x3FB7];
	_ =	sdelay $0x3  }
0x34: {  	[smem:$0x3FB7] =	sst s10  }
0x35: {  	s10 =	sld [smem:$0x3FB6];
	_ =	sdelay $0x3  }
0x36: {  	p1 =	seq.s32 s10, $0x1;
	s10 =	sld [smem:$0x3FB7];
	_ =	sdelay $0x3  }
0x37: {  	[smem:$0x3FB7] =	sst s10  }
0x38: {  	s10 =	sld [smem:$0x3FB8]  }
0x39: {  	_ = 	snop;
	(pc) =	sbr.ind lr, $3  }
0x3a: {  	_ = 	snop  }
0x3b: {  	_ = 	snop  }
0x3c: {  	p2 =	seq.s32 s10, $0x1;
	s10 =	sld [smem:$0x3FB7]  }
0x3d: {  	_ =	shalt  }
0x3e: {  	_ =	shalt  }
0x3f: {  	_ =	shalt  }
0x40: {  	_ =	shalt  }
0x41: {  	_ =	shalt  }
0x42: {  	_ =	shalt  }
0x43: {  	_ =	shalt  }
0x44: {  	_ =	shalt  }
0x45: {  	_ =	shalt  }
0x46: {  	_ =	shalt  }
0x47: {  	_ =	shalt  }
0x48: {  	_ =	shalt  }
0x49: {  	_ =	shalt  }
0x4a: {  	_ =	shalt  }
0x4b: {  	_ =	shalt  }
0x4c: {  	_ =	shalt  }
0x4d: {  	_ =	shalt  }
0x4e: {  	_ =	shalt  }
0x4f: {  	_ =	shalt  }
0x50: {  	_ =	shalt  }
0x51: {  	_ =	shalt  }
0x52: {  	_ =	shalt  }
0x53: {  	_ =	shalt  }
0x54: {  	_ =	shalt  }
0x55: {  	_ =	shalt  }
0x56: {  	_ =	shalt  }
0x57: {  	_ =	shalt  }
0x58: {  	_ =	shalt  }
0x59: {  	_ =	shalt  }
0x5a: {  	_ =	shalt  }
0x5b: {  	_ =	shalt  }
0x5c: {  	_ =	shalt  }
0x5d: {  	_ =	shalt  }
0x5e: {  	_ =	shalt  }
0x5f: {  	_ =	shalt  }
0x60: {  	_ =	shalt  }
0x61: {  	_ =	shalt  }
0x62: {  	_ =	shalt  }
0x63: {  	_ =	shalt  }
0x64: {  	_ =	shalt  }
0x65: {  	_ =	shalt  }
0x66: {  	_ =	shalt  }
0x67: {  	_ =	shalt  }
0x68: {  	_ =	shalt  }
0x69: {  	_ =	shalt  }
0x6a: {  	_ =	shalt  }
0x6b: {  	_ =	shalt  }
0x6c: {  	_ =	shalt  }
0x6d: {  	_ =	shalt  }
0x6e: {  	_ =	shalt  }
0x6f: {  	_ =	shalt  }
0x70: {  	_ =	shalt  }
0x71: {  	_ =	shalt  }
0x72: {  	_ =	shalt  }
0x73: {  	_ =	shalt  }
0x74: {  	_ =	shalt  }
0x75: {  	_ =	shalt  }
0x76: {  	_ =	shalt  }
0x77: {  	_ =	shalt  }
0x78: {  	_ =	shalt  }
0x79: {  	_ =	shalt  }
0x7a: {  	_ =	shalt  }
0x7b: {  	_ =	shalt  }
0x7c: {  	_ =	shalt  }
0x7d: {  	_ =	shalt  }
0x7e: {  	_ =	shalt  }
0x7f: {  	_ =	shalt  }
0x80: {  	_ =	shalt  }
0x81: {  	_ =	shalt  }
0x82: {  	_ =	shalt  }
0x83: {  	_ =	shalt  }
0x84: {  	_ =	shalt  }
0x85: {  	_ =	shalt  }
0x86: {  	_ =	shalt  }
0x87: {  	_ =	shalt  }
.Lfunc_end0:
.L_simem_size_0:
called_computation_lowered:
.L_overlay_start_0:
0x88: {  	s2 =	sld [smem:$0x3FD9]  }
0x89: {  	s3 =	sld [smem:$0x3FFE];
	_ =	sdelay $0x1  }
0x8a: {  	s1 =	srdreg.scid  }
0x8b: {  	s0 =	sand.u32 $0x1, s1  }
0x8c: {  	s14 =	sshll.u32 s0, $0xA;
	s2 =	sadd.s32 s3, s2  }
0x8d: {  	s2 =	sadd.s32 s2, s14  }
0x8e: {  	[smem:$0x3FC3] =	sst s2  }
0x8f: {  	_ = 	snop  }
0x90: {  	s2 =	sld [smem:$0x3FD0];
	_ =	sdelay $0x2  }
0x91: {  	s15 =	simm.s32 $0xA;
	s4 =	simm.s32 $0x10  }
0x92: {  	[smem:s4], [sflag:s15] =	dma.local [hbm:s2], $0x1  }
0x93: {  	_ =	swait.eq [sflag:s15], $0x1  }
0x94: {  	[sflag:s15] =	ssyncset.done $0x0  }
0x95: {  	s16 =	sld [smem:$0x10];
	[sflag:s15] =	ssyncadd.s32 $0xFFFFFFFF  }
0x96: {  	s17 =	sld [smem:$0x11];
	(tm) =	ssettm $0x1  }
0x97: {  	s18 =	sld [smem:$0x3FFB];
	_ =	sdelay $0x3  }
0x98: {  	_ =	strace s18  }
0x99: {  	s4 =	sld [smem:$0x3FFC];
	_ =	sdelay $0x3  }
0x9a: {  	_ =	strace s4  }
0x9b: {  	s4 =	sld [smem:$0x3FFD];
	_ =	sdelay $0x3  }
0x9c: {  	_ =	strace s4  }
0x9d: {  	_ =	strace $0x8FFFFFFF  }
0x9e: {  	s19 =	sld [smem:$0x3FDB];
	_ =	sdelay $0x1  }
0x9f: {  	s5 =	simm.s32 $_scs_section_size  }
0xa0: {  	s6 =	simm.s32 $_size__tile_overlayer_lowered;
	s7 =	simm.s32 $_tile_overlayer_lowered  }
0xa1: {  	s22 =	simm.s32 $0x1BFF;
	s21 =	sshll.u32 s7, $0x1;
	s4 =	sadd.s32 s5, s19  }
0xa2: {  	s8 =	simm.s32 $0x0;
	s20 =	sshll.u32 s6, $0x1;
	s6 =	sadd.s32 s21, s4  }
0xa3: {  	[timem:s8], [sflag:s22] =	dma.local [hbm:s6], s20  }
0xa4: {  	_ =	swait.ge [sflag:s22], s20  }
0xa5: {  	s5 =	ssub.s32 $0x0, s20;
	[sflag:s22] =	ssyncset.done $0x0  }
0xa6: {  	[sflag:s22] =	ssyncadd.s32 s5;
	_ =	sdelay $0x1  }
0xa7: {  	s23 =	simm.s32 $0x1B8B  }
0xa8: {  	_ =	swait.ge [sflag:s23], $0x1  }
0xa9: {  	[sflag:s23] =	ssyncset.done $0x0  }
0xaa: {  	s25 =	simm.s32 $0x1B8E;
	s24 =	sld [smem:$0x3FFE];
	[sflag:s23] =	ssyncadd.s32 $0xFFFFFFFF  }
0xab: {  	s26 =	simm.s32 $execute0_lowered;
	[smem:$0x3FD2] =	sst s25  }
0xac: {  	s6 =	sshll.u32 s26, $0x1;
	_ =	strace $0x80000046;
	[dreg:$0x1] =	wrdreg $0xFFFFFFFF  }
0xad: {  	s28 =	simm.s32 $_size_execute0_lowered;
	s4 =	sadd.s32 s4, s6;
	[dreg:$0x0] =	wrdreg $0x0  }
0xae: {  	s6 =	sshll.u32 s28, $0x1;
	[dreg:$0x2] =	wrdreg s4  }
0xaf: {  	[dreg:$0x3] =	wrdreg s6  }
0xb0: {  	[dreg:$0x4] =	wrdreg $0xC0  }
0xb1: {  	_ =	task [dreg:s8], $0x5FFFF  }
0xb2: {  	[dreg:$0x1] =	wrdreg $0xFFFFFFFF  }
0xb3: {  	[dreg:$0x0] =	wrdreg $0x60  }
0xb4: {  	[dreg:$0x2] =	wrdreg s17  }
0xb5: {  	[dreg:$0x3] =	wrdreg s24  }
0xb6: {  	[dreg:$0x4] =	wrdreg s16  }
0xb7: {  	[dreg:$0x5] =	wrdreg $0x9  }
0xb8: {  	_ =	task.clear_ibuf [dreg:s8], $0x6FFFF;
	_ =	strace $0x90000046  }
0xb9: {  	s29 =	simm.s32 $0x9;
	_ =	strace $0x80000048  }
0xba: {  	_ =	swait.ge [sflag:s29], $0x1  }
0xbb: {  	[sflag:s29] =	ssyncadd.s32 $0xFFFFFFFF  }
0xbc: {  	_ =	strace $0x90000048  }
0xbd: {  	_ =	sfence  }
0xbe: {  	s30 =	sld [smem:$0x0];
	_ =	sdelay $0x2  }
0xbf: {  	s31 =	sshll.u32 s1, $0xD;
	s1 =	sshrl.u32 s1, $0x2  }
0xc0: {  	s3 =	sand.u32 $0x4000, s31;
	s1 =	sadd.s32 s1, s30  }
0xc1: {  	s0 =	sor.u32 s3, s0;
	s1 =	sshll.u32 s1, $0x11  }
0xc2: {  	s0 =	sor.u32 s1, s0  }
0xc3: {  	s0 =	sadd.s32 $0x8F2B, s0  }
0xc4: {  	[sflag:s0] =	ssyncadd.remote.s32 $0x1  }
0xc5: {  	_ =	sfence.sel $0xFFFF  }
0xc6: {  	[dreg:$0x0] =	wrdreg $0xFFFFFFFF;
	(pc) =	sbr.abs _section_cstart, $3  }
0xc7: {  	[dreg:$0x1] =	wrdreg $0xFFFFFFFF  }
0xc8: {  	_ =	task.clear_ibuf [dreg:s8], $0x2FFFF;
	_ =	strace $0x9FFFFFFF  }
0xc9: {  	(tm) =	ssettm $0x7FFFFFFF  }
tec
execute0_lowered:
.L_overlay_start_1:
0x0: {  	(tag) =	ssettag $0x1  }
0x1: {  	s2 =	rddreg [dreg:$0x0]  }
0x2: {  	s7 =	rddreg [dreg:$0x1]  }
0x3: {  	s3 =	rddreg [dreg:$0x2]  }
0x4: {  	s0 =	rddreg [dreg:$0x3];
	s1 =	srdreg.scid;
	_ =	strace $0x80000047  }
0x5: {  	s4 =	simm.s32 $0x1;
	s9 =	simm.s32 $0x3;
	s5 =	sshll.u32 s1, $0x4  }
.Ltmp0:
0x6: {  	s1 =	stileid.u32;
	s5 =	sand.u32 $0x10, s5;
	(pc) =	sbr.rel .LBB2_1-.Ltmp0, $4  }
0x7: {  	s12 =	simm.s32 $0x0;
	s10 =	simm.s32 $0x0;
	s6 =	sor.u32 s1, s5  }
0x8: {  	[sflag:s4] =	ssyncpa.u1 $0x0;
	s5 =	simm.s32 $0x2;
	s6 =	sshll.u32 s6, $0x7  }
0x9: {  	s7 =	sadd.s32 $0x1000, s7;
	[sflag:s5] =	ssyncpa.u1 $0x0;
	s8 =	sadd.s32 $0x80, s6  }
0xa: {  	vm0 =	vmmov $0xff;
	vm1 =	vcmask $0x3F20;
	[sflag:s9] =	ssyncpa.u1 $0x0;
	s9 =	simm.s32 $0x80;
	s11 =	smov.u32 s6  }
.LBB2_10:
0xb: {  	[hbm:s16] =	stream.linear.scatter [tilespmem:s13], [sflag:$0x3], $0x800, $0x38;
	[tilespmem:$0x10100] =	vst v63  }
.LBB2_11:
0xc: {  	p0 =	seq.s32 s10, $0x2  }
.Ltmp1:
0xd: {  	_ = 	snop;
	(pc) =	sbr.rel @p0 .LBB2_13-.Ltmp1, $1  }
0xe: {  	_ =	sdelay $0x3  }
.LBB2_12:
0xf: {  	s12 =	sadd.s32 $0x80, s11  }
0x10: {  	s13 =	smov.u32 s6;
	p0 =	slt.s32 s12, s8  }
0x11: {  	s13 =	smov.u32 @p0 s12  }
0x12: {  	s10 =	sadd.s32 $0x1, s10;
	s12 =	smov.u32 s11;
	s11 =	smov.u32 s13  }
.LBB2_1:
0x13: {  	p0 =	sne.s32 s10, $0x0  }
.Ltmp2:
0x14: {  	_ = 	snop;
	(pc) =	sbr.rel @!p0 .LBB2_2-.Ltmp2, $1  }
0x15: {  	_ =	sdelay $0x3  }
0x16: {  	s13 =	sand.u32 $0x1, s10  }
0x17: {  	p0 =	seq.s32 s13, $0x0  }
.Ltmp3:
0x18: {  	_ = 	snop;
	(pc) =	sbr.rel @p0 .LBB2_11-.Ltmp3, $1  }
0x19: {  	_ =	sdelay $0x3  }
0x1a: {  	_ =	swait.ge [sflag:s5], $0x80  }
0x1b: {  	[sflag:s5] =	ssyncset.done $0x0  }
0x1c: {  	s13 =	simm.s32 $0x0;
	[sflag:s5] =	ssyncadd.s32 $0xFFFFFF80  }
.LBB2_5:
0x1d: {  	s14 =	sshll.u32 s13, $0x4  }
0x1e: {  	s14 =	sand.u32 $0x3FFFFFF0, s14  }
0x1f: {  	v0 =	vld.msk [tilespmem:s14+$0x80 ss:$0x1], $0xffff;
	_ =	sdelay $0x4  }
0x20: {  	vm2 =	vgt.s32 v0, $0x0  }
0x21: {  	v0 =	vnsel vm2, $0x0, v0  }
0x22: {  	v0 =	vmin.u32 v0, $0xFFF  }
0x23: {  	s31 =	sshll.u32 s13, $0xC;
	v1 =	vshll.u32 v0, $0x5;
	v0 =	vshll.u32 v0, $0x4  }
0x24: {  	s14 =	sand.u32 $0x3FFFF000, s31;
	v1 =	vand.u32 $0x1FF00, v1;
	v0 =	vand.u32 $0x70, v0  }
0x25: {  	p0 =	por $0x1, $0x1;
	s15 =	simm.s32 $0x0;
	s14 =	sadd.s32 $0x8100, s14;
	v0 =	vor.u32 v0, v1  }
.LBB2_6:
0x26: {  	_ =	sdelay $0x1  }
0x27: {  	s15 =	sshra.s32 s15, $0x2;
	p1 =	por p0, p0  }
.Ltmp4:
0x28: {  	s15 =	sadd.s32 s15, s14;
	(pc) =	sbr.rel @p1 .LBB2_6-.Ltmp4, $4  }
0x29: {  	[tilespmem:s15], [sflag:$0x1] =	stream.indirect_vreg.gather [hbm:s2], $0x80, v0, vm0, $0x38;
	[tilespmem:$0x10100] =	vst v63  }
0x2a: {  	s15 =	sadd.s32 $0x800, s15  }
0x2b: {  	[tilespmem:s15], [sflag:$0x1] =	stream.indirect_vreg.gather [hbm:s2], $0x80, v0, vm1, $0x38;
	[tilespmem:$0x10100] =	vst v63  }
0x2c: {  	p0 =	por $0x0, $0x0;
	v0 =	vadd.s32 $0x80, v0;
	s15 =	simm.s32 $0x1000  }
0x2d: {  	s13 =	sadd.s32 $0x1, s13  }
0x2e: {  	p0 =	sne.s32 s13, $0x8  }
.Ltmp5:
0x2f: {  	_ = 	snop;
	(pc) =	sbr.rel @p0 .LBB2_5-.Ltmp5, $1  }
0x30: {  	_ =	sdelay $0x3  }
0x31: {  	s13 =	sshll.u32 s12, $0x5  }
0x32: {  	_ =	swait.ge [sflag:s4], $0x8000;
	s31 =	sshll.u32 s12, $0x4;
	s13 =	sand.u32 $0xFFFFFF00, s13  }
0x33: {  	s14 =	simm.s32 $0x100;
	s12 =	sand.u32 $0x70, s31;
	s13 =	sadd.s32 s13, s3  }
0x34: {  	s15 =	simm.s32 $0x8900;
	[sflag:s4] =	ssyncset.done $0x0;
	s12 =	sadd.s32 s12, s13  }
0x35: {  	[sflag:s4] =	ssyncadd.s32 $0xFFFF8000;
	s13 =	simm.s32 $0x8100;
	s16 =	sadd.s32 $0x0, s12  }
.LBB2_9:
0x36: {  	[hbm:s16] =	stream.linear.scatter [tilespmem:s13], [sflag:$0x3], $0x800, $0x38;
	[tilespmem:$0x10100] =	vst v63  }
0x37: {  	s16 =	smov.u32 s14;
	s13 =	smov.u32 s15;
	p0 =	sne.s32 s14, $0xF00  }
.Ltmp6:
0x38: {  	s14 =	sadd.s32 $0x100, s14;
	(pc) =	sbr.rel @p0 .LBB2_9-.Ltmp6, $2  }
0x39: {  	_ =	sdelay $0x2  }
0x3a: {  	s15 =	sadd.s32 $0x800, s15;
	s16 =	sadd.s32 s16, s12  }
.Ltmp7:
0x3b: {  	_ = 	snop;
	(pc) =	sbr.rel .LBB2_10-.Ltmp7, $1  }
0x3c: {  	_ =	sdelay $0x3  }
.LBB2_2:
.Ltmp8:
0x3d: {  	(pc) =	sbr.rel .LBB2_12-.Ltmp8, $4  }
0x3e: {  	_ = 	snop  }
0x3f: {  	s12 =	sshrl.u32 s11, $0x3  }
0x40: {  	s13 =	sand.u32 $0x7, s11;
	s12 =	sadd.s32 s7, s12  }
0x41: {  	[tilespmem:s9], [sflag:$0x2] =	stream.linear.gather [hbm4b:s12+s13], $0x80, $0x38;
	[tilespmem:$0x10100] =	vst v63  }
.LBB2_13:
0x42: {  	s2 =	simm.s32 $0x3  }
0x43: {  	_ =	swait.ge [sflag:s2], $0x8000  }
0x44: {  	[sflag:s2] =	ssyncset.done $0x0  }
0x45: {  	[sflag:s2] =	ssyncadd.s32 $0xFFFF8000  }
0x46: {  	_ =	sfence.sel $0x180000  }
0x47: {  	s3 =	simm.s32 $0x2;
	[bflag:$0x0] =	sbarrier.arrive $0xFFFF  }
0x48: {  	[sflag:s3] =	ssyncpa.u1 $0x1  }
0x49: {  	s31 =	simm.s32 $0x1;
	[sflag:s2] =	ssyncpa.u1 $0x1  }
0x4a: {  	[sflag:s31] =	ssyncpa.u1 $0x1  }
0x4b: {  	p0 =	sne.s32 s1, $0x0;
	_ =	strace $0x90000047  }
0x4c: {  	s0 =	sadd.s32 @!p0 $0x100000, s0;
	[bflag:$0x2] =	sbarrier.arrive $0xFFFF  }
0x4d: {  	[sflag:s0] =	ssyncadd.tile.s32 @!p0 $0x1;
	_ =	shalt  }
.Lfunc_end2:
_tile_overlayer_lowered:
.L_overlay_start_2:
0x4e: {  	(tag) =	ssettag $0x2  }
0x4f: {  	s0 =	rddreg [dreg:$0x0];
	s2 =	stileid.u32  }
0x50: {  	s1 =	rddreg [dreg:$0x1];
	p0 =	sne.s32 s2, $0x0  }
0x51: {  	s3 =	rddreg [dreg:$0x2];
	[bflag:$0x3] =	sbarrier.arrive $0xFFFF;
	s2 =	simm.s32 @!p0 $0x1C01  }
0x52: {  	[timem:s3], [sflag:s2] =	dma.local @!p0 [hbm:s0], s1  }
0x53: {  	s0 =	simm.s32 @!p0 $0x1  }
0x54: {  	_ =	swait.ge @!p0 [sflag:s0], s1  }
0x55: {  	s1 =	ssub.s32 @!p0 $0x0, s1;
	[sflag:s0] =	ssyncset.done @!p0 $0x0  }
0x56: {  	[sflag:s0] =	ssyncadd.s32 @!p0 s1  }
0x57: {  	[bflag:$0x3] =	sbarrier.arrive $0xFFFF  }
0x58: {  	_ =	shalt  }

// kernel: kernel.5.cloned.1.call-start
scs
__scs_entry_jumppad:
0x0: {  	(pc) =	sbr.rel $0x88, $3  }
0x1: {  	(tag) =	ssettag $0x0;
	lr =	simm.s32 $0x1  }
0x2: {  	[smem:$0x3F9C] =	sst lr;
	_ =	strace $0xD0000000  }
0x3: {  	_ = 	snop  }
0x4: {  	_ = 	snop  }
0x5: {  	_ = 	snop  }
0x6: {  	_ = 	snop  }
0x7: {  	_ = 	snop  }
__scs_overlays_trampoline_lowered:
0x8: {  	[smem:$0x3FAB] =	sst s0  }
0x9: {  	[smem:$0x3FAC] =	sst s1  }
0xa: {  	[smem:$0x3FAD] =	sst s2  }
0xb: {  	[smem:$0x3FAE] =	sst s3  }
0xc: {  	[smem:$0x3FAF] =	sst s4  }
0xd: {  	[smem:$0x3FB0] =	sst s5  }
0xe: {  	[smem:$0x3FB1] =	sst s6  }
0xf: {  	[smem:$0x3FB2] =	sst s7  }
0x10: {  	[smem:$0x3FB3] =	sst s8  }
0x11: {  	[smem:$0x3FB4] =	sst s9;
	s0 =	simm.s32 @!p0 $0x0  }
0x12: {  	s1 =	sld [smem:$0x3F9A];
	s0 =	simm.s32 @p0 $0x1  }
0x13: {  	[smem:$0x3FB5] =	sst s0;
	s0 =	simm.s32 @!p1 $0x0  }
0x14: {  	s2 =	sld [smem:$0x3F99];
	s0 =	simm.s32 @p1 $0x1  }
0x15: {  	[smem:$0x3FB6] =	sst s0;
	s0 =	simm.s32 @!p2 $0x0  }
0x16: {  	s3 =	sld [smem:$0x3FDB];
	s0 =	simm.s32 @p2 $0x1  }
0x17: {  	s4 =	simm.s32 $0x1BF5;
	[smem:$0x3FB8] =	sst s0  }
0x18: {  	s0 =	sld [smem:$0x3F9B];
	_ =	swait.ge [sflag:s4], $0x0  }
0x19: {  	s7 =	sld [smem:$0x3F9C]  }
0x1a: {  	s8 =	sadd.s32 $0xFFFFE003, lr  }
0x1b: {  	s9 =	sadd.s32 $0xFFFFFEF7, lr;
	s5 =	simm.s32 $0xFFFFFFFF;
	p2 =	slt.u32 s8, $0xFFFFF086  }
0x1c: {  	p1 =	slt.u32 s9, $0xF7A;
	s5 =	simm.s32 @!p2 $0x0  }
0x1d: {  	s5 =	simm.s32 @p1 $0x1;
	p0 =	seq.s32 s7, s2  }
0x1e: {  	s7 =	smul.u32 @!p0 $0xF7A, s2;
	p2 =	seq.s32 @!p0 s5, $0x0  }
0x1f: {  	s9 =	smul.u32 $0xF7A, s1;
	s8 =	simm.s32 @!p0 $0x1BF5;
	p2 =	por !p2, p0  }
0x20: {  	[sflag:s8] =	ssyncset.s32 @!p0 $0xFFFFF086;
	s6 =	sadd.s32 @!p0 s3, s7;
	s7 =	simm.s32 @!p0 $0x108  }
0x21: {  	s3 =	sadd.s32 s3, s9;
	s6 =	sadd.s32 @!p0 $0x88, s6;
	s7 =	simm.s32 @p2 $0x1082  }
0x22: {  	[simem:s7], [sflag:s8] =	dma.local @!p0 [hbm:s6], $0xF7A  }
0x23: {  	s9 =	sor.u32 $0xD0000000, s2;
	s6 =	simm.s32 $0x108;
	_ =	swait.ge @!p0 [sflag:s8], $0x0  }
0x24: {  	s3 =	sadd.s32 $0x88, s3;
	s6 =	simm.s32 @!p1 $0x1082;
	[sflag:s4] =	ssyncset.s32 $0xFFFFF086  }
0x25: {  	[simem:s6], [sflag:s4] =	dma.local [hbm:s3], $0xF7A  }
0x26: {  	[smem:$0x3F9C] =	sst s1;
	(tag) =	ssettag s2;
	_ =	strace s9  }
0x27: {  	s1 =	sld [smem:$0x3FAC]  }
0x28: {  	s2 =	sld [smem:$0x3FAD]  }
0x29: {  	s4 =	sld [smem:$0x3FAF]  }
0x2a: {  	p0 =	seq.s32 s5, $0x0;
	s5 =	sld [smem:$0x3FB0]  }
0x2b: {  	s6 =	sld [smem:$0x3FB1]  }
0x2c: {  	s7 =	sld [smem:$0x3FB2]  }
0x2d: {  	s3 =	simm.s32 $0x108;
	s8 =	sld [smem:$0x3FB3]  }
0x2e: {  	s3 =	simm.s32 @!p0 $0x1082;
	s9 =	sld [smem:$0x3FB4]  }
0x2f: {  	lr =	sadd.s32 s0, s3;
	s0 =	sld [smem:$0x3FAB]  }
0x30: {  	s3 =	sld [smem:$0x3FAE]  }
0x31: {  	[smem:$0x3FB7] =	sst s10  }
0x32: {  	s10 =	sld [smem:$0x3FB5];
	_ =	sdelay $0x3  }
0x33: {  	p0 =	seq.s32 s10, $0x1;
	s10 =	sld [smem:$0x3FB7];
	_ =	sdelay $0x3  }
0x34: {  	[smem:$0x3FB7] =	sst s10  }
0x35: {  	s10 =	sld [smem:$0x3FB6];
	_ =	sdelay $0x3  }
0x36: {  	p1 =	seq.s32 s10, $0x1;
	s10 =	sld [smem:$0x3FB7];
	_ =	sdelay $0x3  }
0x37: {  	[smem:$0x3FB7] =	sst s10  }
0x38: {  	s10 =	sld [smem:$0x3FB8]  }
0x39: {  	_ = 	snop;
	(pc) =	sbr.ind lr, $3  }
0x3a: {  	_ = 	snop  }
0x3b: {  	_ = 	snop  }
0x3c: {  	p2 =	seq.s32 s10, $0x1;
	s10 =	sld [smem:$0x3FB7]  }
0x3d: {  	_ =	shalt  }
0x3e: {  	_ =	shalt  }
0x3f: {  	_ =	shalt  }
0x40: {  	_ =	shalt  }
0x41: {  	_ =	shalt  }
0x42: {  	_ =	shalt  }
0x43: {  	_ =	shalt  }
0x44: {  	_ =	shalt  }
0x45: {  	_ =	shalt  }
0x46: {  	_ =	shalt  }
0x47: {  	_ =	shalt  }
0x48: {  	_ =	shalt  }
0x49: {  	_ =	shalt  }
0x4a: {  	_ =	shalt  }
0x4b: {  	_ =	shalt  }
0x4c: {  	_ =	shalt  }
0x4d: {  	_ =	shalt  }
0x4e: {  	_ =	shalt  }
0x4f: {  	_ =	shalt  }
0x50: {  	_ =	shalt  }
0x51: {  	_ =	shalt  }
0x52: {  	_ =	shalt  }
0x53: {  	_ =	shalt  }
0x54: {  	_ =	shalt  }
0x55: {  	_ =	shalt  }
0x56: {  	_ =	shalt  }
0x57: {  	_ =	shalt  }
0x58: {  	_ =	shalt  }
0x59: {  	_ =	shalt  }
0x5a: {  	_ =	shalt  }
0x5b: {  	_ =	shalt  }
0x5c: {  	_ =	shalt  }
0x5d: {  	_ =	shalt  }
0x5e: {  	_ =	shalt  }
0x5f: {  	_ =	shalt  }
0x60: {  	_ =	shalt  }
0x61: {  	_ =	shalt  }
0x62: {  	_ =	shalt  }
0x63: {  	_ =	shalt  }
0x64: {  	_ =	shalt  }
0x65: {  	_ =	shalt  }
0x66: {  	_ =	shalt  }
0x67: {  	_ =	shalt  }
0x68: {  	_ =	shalt  }
0x69: {  	_ =	shalt  }
0x6a: {  	_ =	shalt  }
0x6b: {  	_ =	shalt  }
0x6c: {  	_ =	shalt  }
0x6d: {  	_ =	shalt  }
0x6e: {  	_ =	shalt  }
0x6f: {  	_ =	shalt  }
0x70: {  	_ =	shalt  }
0x71: {  	_ =	shalt  }
0x72: {  	_ =	shalt  }
0x73: {  	_ =	shalt  }
0x74: {  	_ =	shalt  }
0x75: {  	_ =	shalt  }
0x76: {  	_ =	shalt  }
0x77: {  	_ =	shalt  }
0x78: {  	_ =	shalt  }
0x79: {  	_ =	shalt  }
0x7a: {  	_ =	shalt  }
0x7b: {  	_ =	shalt  }
0x7c: {  	_ =	shalt  }
0x7d: {  	_ =	shalt  }
0x7e: {  	_ =	shalt  }
0x7f: {  	_ =	shalt  }
0x80: {  	_ =	shalt  }
0x81: {  	_ =	shalt  }
0x82: {  	_ =	shalt  }
0x83: {  	_ =	shalt  }
0x84: {  	_ =	shalt  }
0x85: {  	_ =	shalt  }
0x86: {  	_ =	shalt  }
0x87: {  	_ =	shalt  }
.Lfunc_end0:
.L_simem_size_0:
called_computation.1_lowered:
.L_overlay_start_0:
0x88: {  	s2 =	sld [smem:$0x3FD9]  }
0x89: {  	s3 =	sld [smem:$0x3FFE];
	_ =	sdelay $0x1  }
0x8a: {  	s1 =	srdreg.scid  }
0x8b: {  	s0 =	sand.u32 $0x1, s1  }
0x8c: {  	s14 =	sshll.u32 s0, $0xA;
	s2 =	sadd.s32 s3, s2  }
0x8d: {  	s2 =	sadd.s32 s2, s14  }
0x8e: {  	[smem:$0x3FC3] =	sst s2  }
0x8f: {  	_ = 	snop  }
0x90: {  	s2 =	sld [smem:$0x3FD0];
	_ =	sdelay $0x2  }
0x91: {  	s15 =	simm.s32 $0xA;
	s4 =	simm.s32 $0x10  }
0x92: {  	[smem:s4], [sflag:s15] =	dma.local [hbm:s2], $0x1  }
0x93: {  	_ =	swait.eq [sflag:s15], $0x1  }
0x94: {  	[sflag:s15] =	ssyncset.done $0x0  }
0x95: {  	[sflag:s15] =	ssyncadd.s32 $0xFFFFFFFF  }
0x96: {  	s16 =	sld [smem:$0x10];
	(tm) =	ssettm $0x1  }
0x97: {  	s17 =	sld [smem:$0x3FFB];
	_ =	sdelay $0x3  }
0x98: {  	_ =	strace s17  }
0x99: {  	s3 =	sld [smem:$0x3FFC];
	_ =	sdelay $0x3  }
0x9a: {  	_ =	strace s3  }
0x9b: {  	s3 =	sld [smem:$0x3FFD];
	_ =	sdelay $0x3  }
0x9c: {  	_ =	strace s3  }
0x9d: {  	_ =	strace $0x8FFFFFFF  }
0x9e: {  	s18 =	sld [smem:$0x3FDB];
	_ =	sdelay $0x1  }
0x9f: {  	s19 =	simm.s32 $_scs_section_size  }
0xa0: {  	s5 =	simm.s32 $_size__tile_overlayer_lowered;
	s6 =	simm.s32 $_tile_overlayer_lowered  }
0xa1: {  	s22 =	simm.s32 $0x1BFF;
	s21 =	sshll.u32 s6, $0x1;
	s3 =	sadd.s32 s19, s18  }
0xa2: {  	s7 =	simm.s32 $0x0;
	s20 =	sshll.u32 s5, $0x1;
	s5 =	sadd.s32 s21, s3  }
0xa3: {  	[timem:s7], [sflag:s22] =	dma.local [hbm:s5], s20  }
0xa4: {  	_ =	swait.ge [sflag:s22], s20  }
0xa5: {  	s4 =	ssub.s32 $0x0, s20;
	[sflag:s22] =	ssyncset.done $0x0  }
0xa6: {  	[sflag:s22] =	ssyncadd.s32 s4;
	_ =	sdelay $0x1  }
0xa7: {  	s23 =	simm.s32 $0x1B8B  }
0xa8: {  	_ =	swait.ge [sflag:s23], $0x1  }
0xa9: {  	[sflag:s23] =	ssyncset.done $0x0  }
0xaa: {  	s25 =	simm.s32 $0x1B8E;
	s24 =	sld [smem:$0x3FFE];
	[sflag:s23] =	ssyncadd.s32 $0xFFFFFFFF  }
0xab: {  	s26 =	simm.s32 $execute0_lowered;
	[smem:$0x3FD2] =	sst s25  }
0xac: {  	s5 =	sshll.u32 s26, $0x1;
	_ =	strace $0x80000049;
	[dreg:$0x1] =	wrdreg $0xFFFFFFFF  }
0xad: {  	s28 =	simm.s32 $_size_execute0_lowered;
	s3 =	sadd.s32 s3, s5;
	[dreg:$0x0] =	wrdreg $0x0  }
0xae: {  	s5 =	sshll.u32 s28, $0x1;
	[dreg:$0x2] =	wrdreg s3  }
0xaf: {  	[dreg:$0x3] =	wrdreg s5  }
0xb0: {  	[dreg:$0x4] =	wrdreg $0xC0  }
0xb1: {  	_ =	task [dreg:s7], $0x5FFFF  }
0xb2: {  	[dreg:$0x1] =	wrdreg $0xFFFFFFFF  }
0xb3: {  	[dreg:$0x0] =	wrdreg $0x60  }
0xb4: {  	[dreg:$0x2] =	wrdreg s16  }
0xb5: {  	[dreg:$0x3] =	wrdreg s24  }
0xb6: {  	[dreg:$0x4] =	wrdreg $0x9  }
0xb7: {  	_ =	task.clear_ibuf [dreg:s7], $0x5FFFF;
	_ =	strace $0x90000049  }
0xb8: {  	s29 =	simm.s32 $0x9;
	_ =	strace $0x8000004B  }
0xb9: {  	_ =	swait.ge [sflag:s29], $0x1  }
0xba: {  	[sflag:s29] =	ssyncadd.s32 $0xFFFFFFFF  }
0xbb: {  	_ =	strace $0x9000004B  }
0xbc: {  	_ =	sfence  }
0xbd: {  	s30 =	sld [smem:$0x0];
	_ =	sdelay $0x2  }
0xbe: {  	s31 =	sshll.u32 s1, $0xD;
	s1 =	sshrl.u32 s1, $0x2  }
0xbf: {  	s3 =	sand.u32 $0x4000, s31;
	s1 =	sadd.s32 s1, s30  }
0xc0: {  	s0 =	sor.u32 s3, s0;
	s1 =	sshll.u32 s1, $0x11  }
0xc1: {  	s0 =	sor.u32 s1, s0  }
0xc2: {  	s0 =	sadd.s32 $0x8F2B, s0  }
0xc3: {  	[sflag:s0] =	ssyncadd.remote.s32 $0x1  }
0xc4: {  	_ =	sfence.sel $0xFFFF  }
0xc5: {  	[dreg:$0x0] =	wrdreg $0xFFFFFFFF;
	(pc) =	sbr.abs _section_cstart, $3  }
0xc6: {  	[dreg:$0x1] =	wrdreg $0xFFFFFFFF  }
0xc7: {  	_ =	task.clear_ibuf [dreg:s7], $0x2FFFF;
	_ =	strace $0x9FFFFFFF  }
0xc8: {  	(tm) =	ssettm $0x7FFFFFFF  }
0xc9: {  	_ =	shalt  }
tec
execute0_lowered:
.L_overlay_start_1:
0x0: {  	(tag) =	ssettag $0x1  }
0x1: {  	s6 =	rddreg [dreg:$0x0]  }
0x2: {  	s5 =	rddreg [dreg:$0x1]  }
0x3: {  	s0 =	rddreg [dreg:$0x2]  }
0x4: {  	s3 =	srdreg.scid;
	s1 =	stileid.u32;
	s2 =	simm.s32 $0x0  }
0x5: {  	s11 =	simm.s32 $0x5;
	s12 =	simm.s32 $0x140;
	s13 =	simm.s32 $0x10400  }
0x6: {  	s14 =	simm.s32 $0x1;
	s15 =	simm.s32 $0x3;
	s16 =	simm.s32 $0x6400  }
0x7: {  	s17 =	simm.s32 $0x2;
	s7 =	sand.u32 $0x1, s3;
	s30 =	sshll.u32 s1, $0x1  }
0x8: {  	s18 =	simm.s32 $0x4;
	s19 =	simm.s32 $0x0;
	s8 =	sor.u32 s7, s30  }
0x9: {  	[smem:$0x7FF] =	sst s2;
	s4 =	sadd.s32 $0xF43800, s5;
	s3 =	smul.u32 $0x6400, s8  }
0xa: {  	s5 =	sadd.s32 $0x1000, s5;
	s7 =	ssub.s32 $0x2, s7;
	s9 =	smul.u32 $0x190000, s8  }
0xb: {  	_ =	strace $0x8000004A;
	s10 =	sshrl.u32 s7, $0x1;
	s8 =	smul.u32 $0x32000, s8  }
0xc: {  	s10 =	ssub.s32 s7, s10;
	s31 =	sshrl.u32 s3, $0x3;
	s9 =	sshrl.u32 s9, $0x3  }
0xd: {  	s7 =	sadd.s32 s5, s8;
	s8 =	sor.u32 $0x140, s3;
	s9 =	sadd.s32 s5, s9  }
0xe: {  	s10 =	smax.u32 s10, $0x1;
	s6 =	sadd.s32 s6, s31;
	s9 =	sadd.s32 $0x31600, s9  }
.LBB2_1:
0xf: {  	[tilespmem:s2], [sflag:$0x5] =	stream.linear.gather [hbm4b:s6+s2], $0x6400, $0x38;
	[tilespmem:$0x1A400] =	vst v63  }
0x10: {  	_ =	swait.ge [sflag:s11], $0x6400  }
0x11: {  	[sflag:s11] =	ssyncset.done $0x0  }
0x12: {  	[sflag:s11] =	ssyncadd.s32 $0xFFFF9C00  }
0x13: {  	[tilespmem:s16], [sflag:$0x1] =	stream.indirect.gather [hbm4b:s4+s12], $0x80, s2, s12, $0xb8;
	[tilespmem:$0x1A400] =	vst v63  }
0x14: {  	_ = 	snop  }
0x15: {  	[tilespmem:s13], [sflag:$0x2] =	stream.indirect.gather [hbm4b:s4+s12], $0x80, s12, s12, $0xb8;
	[tilespmem:$0x1A400] =	vst v63  }
0x16: {  	_ =	swait.ge [sflag:s14], $0xA000  }
0x17: {  	s20 =	sadd.s32 $0x0, s7;
	[sflag:s14] =	ssyncset.done $0x0  }
0x18: {  	s21 =	simm.s32 $0x8;
	s22 =	simm.s32 $0x6400;
	[sflag:s14] =	ssyncadd.s32 $0xFFFF6000  }
0x19: {  	[hbm4b:s20+s2] =	stream.linear.scatter [tilespmem:s16], [sflag:$0x3], $0x40, $0x38;
	[tilespmem:$0x1A400] =	vst v63  }
.LBB2_2:
0x1a: {  	p0 =	sne.s32 s21, $0x9F8  }
.Ltmp0:
0x1b: {  	_ = 	snop;
	(pc) =	sbr.rel @p0 .LBB2_2-.Ltmp0, $4  }
0x1c: {  	_ = 	snop  }
0x1d: {  	s23 =	sadd.s32 s21, s7;
	s22 =	sadd.s32 $0x80, s22  }
0x1e: {  	s20 =	simm.s32 $0x0;
	s21 =	sadd.s32 $0x8, s21  }
0x1f: {  	[hbm4b:s23+s20] =	stream.linear.scatter [tilespmem:s22], [sflag:$0x3], $0x40, $0x38;
	[tilespmem:$0x1A400] =	vst v63  }
.LBB2_3:
0x20: {  	_ =	swait.ge [sflag:s15], $0x5000;
	s22 =	smul.u32 $0x280, s20  }
0x21: {  	[sflag:s15] =	ssyncset.done $0x0  }
0x22: {  	[sflag:s15] =	ssyncadd.s32 $0xFFFFB000;
	s21 =	sadd.s32 $0x280, s22;
	s22 =	sadd.s32 s22, s8  }
0x23: {  	[tilespmem:s16], [sflag:$0x1] =	stream.indirect.gather [hbm4b:s4+s12], $0x80, s21, s12, $0xb8;
	[tilespmem:$0x1A400] =	vst v63  }
0x24: {  	s22 =	sshll.u32 s22, $0x3  }
0x25: {  	s23 =	simm.s32 $0x10400;
	_ =	swait.ge [sflag:s17], $0xA000;
	s22 =	sand.u32 $0x1FFFFE00, s22  }
0x26: {  	s24 =	simm.s32 $0x8;
	[sflag:s17] =	ssyncset.done $0x0;
	s22 =	sadd.s32 s5, s22  }
0x27: {  	s25 =	simm.s32 $0x10480;
	[sflag:s17] =	ssyncadd.s32 $0xFFFF6000;
	s26 =	sadd.s32 $0x0, s22  }
.LBB2_4:
0x28: {  	[hbm4b:s26+s2] =	stream.linear.scatter [tilespmem:s23], [sflag:$0x4], $0x40, $0x38;
	[tilespmem:$0x1A400] =	vst v63  }
0x29: {  	s26 =	smov.u32 s24;
	s23 =	smov.u32 s25;
	p0 =	sne.s32 s24, $0x9F8  }
.Ltmp1:
0x2a: {  	s24 =	sadd.s32 $0x8, s24;
	(pc) =	sbr.rel @p0 .LBB2_4-.Ltmp1, $2  }
0x2b: {  	_ =	sdelay $0x2  }
0x2c: {  	s25 =	sadd.s32 $0x80, s25;
	s26 =	sadd.s32 s26, s22  }
0x2d: {  	[hbm4b:s26+s2] =	stream.linear.scatter [tilespmem:s23], [sflag:$0x4], $0x40, $0x38;
	[tilespmem:$0x1A400] =	vst v63  }
0x2e: {  	s22 =	smul.u32 $0xA00, s20  }
0x2f: {  	_ =	swait.ge [sflag:s18], $0x5000  }
0x30: {  	s21 =	sadd.s32 s3, s21;
	[sflag:s18] =	ssyncset.done $0x0;
	s22 =	sshra.s32 s22, $0x2  }
0x31: {  	s21 =	sshll.u32 s21, $0x3;
	[sflag:s18] =	ssyncadd.s32 $0xFFFFB000;
	s22 =	sadd.s32 $0x3C0, s22  }
0x32: {  	[tilespmem:s13], [sflag:$0x2] =	stream.indirect.gather [hbm4b:s4+s12], $0x80, s22, s12, $0xb8;
	[tilespmem:$0x1A400] =	vst v63  }
0x33: {  	s23 =	simm.s32 $0x8;
	s21 =	sand.u32 $0x1FFFFC00, s21;
	_ =	swait.ge [sflag:s14], $0xA000  }
0x34: {  	s24 =	simm.s32 $0x6480;
	s21 =	sadd.s32 s5, s21;
	[sflag:s14] =	ssyncset.done $0x0  }
0x35: {  	s22 =	simm.s32 $0x6400;
	s25 =	sadd.s32 $0x0, s21;
	[sflag:s14] =	ssyncadd.s32 $0xFFFF6000  }
.LBB2_6:
0x36: {  	[hbm4b:s25+s2] =	stream.linear.scatter [tilespmem:s22], [sflag:$0x3], $0x40, $0x38;
	[tilespmem:$0x1A400] =	vst v63  }
0x37: {  	s25 =	smov.u32 s23;
	s22 =	smov.u32 s24;
	p0 =	sne.s32 s23, $0x9F8  }
.Ltmp2:
0x38: {  	s23 =	sadd.s32 $0x8, s23;
	(pc) =	sbr.rel @p0 .LBB2_6-.Ltmp2, $2  }
0x39: {  	_ =	sdelay $0x2  }
0x3a: {  	s24 =	sadd.s32 $0x80, s24;
	s25 =	sadd.s32 s25, s21  }
0x3b: {  	s20 =	sadd.s32 $0x1, s20  }
0x3c: {  	p0 =	sne.s32 s20, $0x27  }
.Ltmp3:
0x3d: {  	_ = 	snop;
	(pc) =	sbr.rel @p0 .LBB2_3-.Ltmp3, $2  }
0x3e: {  	_ =	sdelay $0x2  }
0x3f: {  	[hbm4b:s25+s2] =	stream.linear.scatter [tilespmem:s22], [sflag:$0x3], $0x40, $0x38;
	[tilespmem:$0x1A400] =	vst v63  }
0x40: {  	_ =	swait.ge [sflag:s17], $0xA000  }
0x41: {  	s20 =	simm.s32 $0x10400;
	s21 =	simm.s32 $0x8;
	[sflag:s17] =	ssyncset.done $0x0  }
0x42: {  	s23 =	sadd.s32 $0x0, s9;
	s22 =	simm.s32 $0x10480;
	[sflag:s17] =	ssyncadd.s32 $0xFFFF6000  }
.LBB2_9:
0x43: {  	[hbm4b:s23+s2] =	stream.linear.scatter [tilespmem:s20], [sflag:$0x4], $0x40, $0x38;
	[tilespmem:$0x1A400] =	vst v63  }
0x44: {  	s23 =	smov.u32 s21;
	s20 =	smov.u32 s22;
	p0 =	sne.s32 s21, $0x9F8  }
.Ltmp4:
0x45: {  	s21 =	sadd.s32 $0x8, s21;
	(pc) =	sbr.rel @p0 .LBB2_9-.Ltmp4, $2  }
0x46: {  	_ =	sdelay $0x2  }
0x47: {  	s22 =	sadd.s32 $0x80, s22;
	s23 =	sadd.s32 s23, s9  }
0x48: {  	[hbm4b:s23+s2] =	stream.linear.scatter [tilespmem:s20], [sflag:$0x4], $0x40, $0x38;
	[tilespmem:$0x1A400] =	vst v63  }
0x49: {  	s19 =	sadd.s32 $0x1, s19  }
0x4a: {  	_ =	swait.ge [sflag:s15], $0x5000;
	p0 =	sne.s32 s19, s10  }
.Ltmp5:
0x4b: {  	[sflag:s15] =	ssyncset.done $0x0;
	(pc) =	sbr.rel @p0 .LBB2_1-.Ltmp5, $4  }
0x4c: {  	[sflag:s15] =	ssyncadd.s32 $0xFFFFB000  }
0x4d: {  	_ =	swait.ge [sflag:s18], $0x5000  }
0x4e: {  	[sflag:s18] =	ssyncset.done $0x0  }
0x4f: {  	[sflag:s18] =	ssyncadd.s32 $0xFFFFB000  }
0x50: {  	_ =	sfence.sel $0x180000  }
0x51: {  	[bflag:$0x0] =	sbarrier.arrive $0xFFFF  }
0x52: {  	p0 =	sne.s32 s1, $0x0;
	_ =	strace $0x9000004A  }
0x53: {  	s0 =	sadd.s32 @!p0 $0x100000, s0;
	[bflag:$0x2] =	sbarrier.arrive $0xFFFF  }
0x54: {  	[sflag:s0] =	ssyncadd.tile.s32 @!p0 $0x1;
	_ =	shalt  }
.Lfunc_end2:
_tile_overlayer_lowered:
.L_overlay_start_2:
0x55: {  	(tag) =	ssettag $0x2  }
0x56: {  	s0 =	rddreg [dreg:$0x0];
	s2 =	stileid.u32  }
0x57: {  	s1 =	rddreg [dreg:$0x1];
	p0 =	sne.s32 s2, $0x0  }
0x58: {  	s3 =	rddreg [dreg:$0x2];
	[bflag:$0x3] =	sbarrier.arrive $0xFFFF;
	s2 =	simm.s32 @!p0 $0x1C05  }
0x59: {  	[timem:s3], [sflag:s2] =	dma.local @!p0 [hbm:s0], s1  }
0x5a: {  	s0 =	simm.s32 @!p0 $0x5  }
0x5b: {  	_ =	swait.ge @!p0 [sflag:s0], s1  }
0x5c: {  	s1 =	ssub.s32 @!p0 $0x0, s1;
	[sflag:s0] =	ssyncset.done @!p0 $0x0  }
0x5d: {  	[sflag:s0] =	ssyncadd.s32 @!p0 s1  }
0x5e: {  	[bflag:$0x3] =	sbarrier.arrive $0xFFFF  }
0x5f: {  	_ =	shalt  }

</sc_bundles>
